<compile_context>
chip_gen: v7x
topology: tpu7x:2x2x1
jax: 0.10.2.dev20260603
libtpu: 0.0.44.dev20260713+nightly
codegen_flags: <defaults>
</compile_context>

<pallas_src>
import functools

import jax
import jax.numpy as jnp
from jax import lax
from jax.experimental import pallas as pl
from jax.experimental.pallas import tpu as pltpu
from jax.experimental.pallas import tpu_sc as plsc

PHI_C = 0.01
M_C = 1_000_000
B_C = 131_072
DIM_SH_C = 16

HALF = M_C // 2
NR = 2
QUARTER = HALF // NR
NS = 16
L = 16
UB = B_C // NS
UC = 512
NUC = UB // UC
SCH = 128
ACC_ROWS = QUARTER + NS

ZCH = 640
ZCW = ZCH * 4
NFULL = QUARTER // ZCH
TAIL = QUARTER - NFULL * ZCH
TAILW = TAIL * 4
NJ = (NFULL + NS - 1) // NS
ACC_WORDS = ACC_ROWS * 4

DN = 1250
DNP = 1264
NV = DNP // L
RTD = M_C // (2 * NS)
DCD = RTD // DN
TCB = 8000


def _rsqrt(s):
    i = plsc.bitcast(s, jnp.int32)
    i = jnp.int32(0x5F3759DF) - (i >> 1)
    y = plsc.bitcast(i, jnp.float32)
    for _ in range(3):
        y = y * (1.5 - 0.5 * s * y * y)
    return y


def _scatter_body(grad, idx, delta4,
                  idx_v, grad_v, vals_v, eff_v, zbuf, dbuf, acc, sem):
    cid = lax.axis_index("c")
    sid = lax.axis_index("s")
    iota = lax.iota(jnp.int32, L)
    c0 = jnp.zeros((L,), jnp.int32)
    c1 = jnp.full((L,), 1, jnp.int32)
    c2 = jnp.full((L,), 2, jnp.int32)
    c3 = jnp.full((L,), 3, jnp.int32)
    zf = jnp.zeros((L,), jnp.float32)

    cp_i = pltpu.async_copy(idx.at[pl.ds(sid * UB, UB)], idx_v, sem)
    cp_g = pltpu.async_copy(grad.at[pl.ds(sid * UB * 3, UB * 3)], grad_v, sem)

    def zb_body(v, _):
        plsc.store_scatter(zbuf, [v * L + iota], zf)
        return 0
    lax.fori_loop(0, ZCW // L, zb_body, 0)

    cp_i.wait()
    cp_g.wait()

    def round_body(r, _):
        qbase = cid * HALF + r * QUARTER

        def z_body(j, _):
            ch = sid + j * NS

            @pl.when(ch < NFULL)
            def _():
                pltpu.async_copy(zbuf, acc.at[pl.ds(ch * ZCW, ZCW)], sem)
            return 0
        lax.fori_loop(0, NJ, z_body, 0)

        def z_wait(j, _):
            ch = sid + j * NS

            @pl.when(ch < NFULL)
            def _():
                pltpu.make_async_copy(zbuf,
                                      acc.at[pl.ds(ch * ZCW, ZCW)],
                                      sem).wait()
            return 0
        lax.fori_loop(0, NJ, z_wait, 0)

        @pl.when(sid == 7)
        def _():
            pltpu.sync_copy(zbuf.at[pl.ds(0, TAILW)],
                            acc.at[pl.ds(NFULL * ZCW, TAILW)])
        plsc.subcore_barrier()

        def u_body(u, _):
            base = u * UC

            def v_body(v, _):
                lrows = v * L + iota
                rows = base + lrows
                ivec = plsc.load_gather(idx_v, [rows])
                p3 = rows * 3
                gx = plsc.load_gather(grad_v, [p3])
                gy = plsc.load_gather(grad_v, [p3 + 1])
                gz = plsc.load_gather(grad_v, [p3 + 2])
                s = gx * gx + gy * gy + gz * gz + 1e-12
                g = s * _rsqrt(s)
                l4 = lrows * 4
                plsc.store_scatter(vals_v, [l4], gx * PHI_C)
                plsc.store_scatter(vals_v, [l4 + 1], gy * PHI_C)
                plsc.store_scatter(vals_v, [l4 + 2], gz * PHI_C)
                plsc.store_scatter(vals_v, [l4 + 3], g)
                tgt = ivec - qbase
                ok = (tgt >= 0) & (tgt < QUARTER)
                w4 = jnp.where(ok, tgt, QUARTER + sid) * 4
                plsc.store_scatter(eff_v, [l4 >> 7, l4 & 127], w4)
                plsc.store_scatter(eff_v, [(l4 + 1) >> 7, (l4 + 1) & 127],
                                   w4 + 1)
                plsc.store_scatter(eff_v, [(l4 + 2) >> 7, (l4 + 2) & 127],
                                   w4 + 2)
                plsc.store_scatter(eff_v, [(l4 + 3) >> 7, (l4 + 3) & 127],
                                   w4 + 3)
                return 0
            lax.fori_loop(0, UC // L, v_body, 0)

            def s_start(q, _):
                pltpu.async_copy(vals_v.at[pl.ds(q * SCH, SCH)],
                                 acc.at[eff_v.at[q]], sem, add=True)
                return 0
            lax.fori_loop(0, UC * 4 // SCH, s_start, 0)

            def s_wait(q, _):
                pltpu.make_async_copy(vals_v.at[pl.ds(q * SCH, SCH)],
                                      acc.at[eff_v.at[q]], sem).wait()
                return 0
            lax.fori_loop(0, UC * 4 // SCH, s_wait, 0)
            return 0
        lax.fori_loop(0, NUC, u_body, 0)
        plsc.subcore_barrier()

        qb4 = qbase * 4

        def p_body(j, _):
            ch = sid + j * NS

            @pl.when(ch < NFULL)
            def _():
                pltpu.sync_copy(acc.at[pl.ds(ch * ZCW, ZCW)], dbuf)
                pltpu.sync_copy(dbuf, delta4.at[pl.ds(qb4 + ch * ZCW, ZCW)])
            return 0
        lax.fori_loop(0, NJ, p_body, 0)

        @pl.when(sid == 7)
        def _():
            pltpu.sync_copy(acc.at[pl.ds(NFULL * ZCW, TAILW)],
                            dbuf.at[pl.ds(0, TAILW)])
            pltpu.sync_copy(dbuf.at[pl.ds(0, TAILW)],
                            delta4.at[pl.ds(qb4 + NFULL * ZCW, TAILW)])
        return 0

    lax.fori_loop(0, NR, round_body, 0)


def _dense_body(means, colors, opac, delta4, out,
                mbuf, bbuf, obuf, dbuf, wbuf, sem, osem):
    cid = lax.axis_index("c")
    sid = lax.axis_index("s")
    iota = lax.iota(jnp.int32, L)
    c0 = jnp.zeros((L,), jnp.int32)
    c1 = jnp.full((L,), 1, jnp.int32)
    c2 = jnp.full((L,), 2, jnp.int32)
    wid = cid * NS + sid

    def d_body(k, _):
        gr0 = wid * RTD + k * DN
        cpm = pltpu.async_copy(means.at[pl.ds(gr0, DN)],
                               mbuf.at[pl.ds(0, DN)], sem)
        cpb = pltpu.async_copy(colors.at[pl.ds(gr0, DN), pl.ds(0, 3)],
                               bbuf.at[pl.ds(0, DN)], sem)
        cpo = pltpu.async_copy(opac.at[pl.ds(gr0, DN)],
                               obuf.at[pl.ds(0, DN)], sem)
        cpd = pltpu.async_copy(delta4.at[pl.ds(gr0 * 4, DN * 4)],
                               dbuf.at[pl.ds(0, DN * 4)], sem)
        cpm.wait()
        cpb.wait()
        cpo.wait()
        cpd.wait()

        @pl.when(k > 0)
        def _():
            gp = wid * RTD + (k - 1) * DN
            pltpu.make_async_copy(wbuf.at[pl.ds(0, DN)],
                                  out.at[pl.ds(gp, DN)], osem).wait()

        def v_body(v, _):
            rows = v * L + iota
            a = plsc.load_gather(obuf, [rows, c0])
            alpha = 1.0 / (1.0 + jnp.exp(-a))
            r4 = rows * 4
            dx = plsc.load_gather(dbuf, [r4])
            dy = plsc.load_gather(dbuf, [r4 + 1])
            dz = plsc.load_gather(dbuf, [r4 + 2])
            ga = plsc.load_gather(dbuf, [r4 + 3])
            mx = plsc.load_gather(mbuf, [rows, c0])
            my = plsc.load_gather(mbuf, [rows, c1])
            mz = plsc.load_gather(mbuf, [rows, c2])
            bx = plsc.load_gather(bbuf, [rows, c0])
            by = plsc.load_gather(bbuf, [rows, c1])
            bz = plsc.load_gather(bbuf, [rows, c2])
            plsc.store_scatter(wbuf, [rows, c0], (mx + dx) * alpha + bx + ga)
            plsc.store_scatter(wbuf, [rows, c1], (my + dy) * alpha + by + ga)
            plsc.store_scatter(wbuf, [rows, c2], (mz + dz) * alpha + bz + ga)
            return 0
        lax.fori_loop(0, NV, v_body, 0)
        pltpu.async_copy(wbuf.at[pl.ds(0, DN)], out.at[pl.ds(gr0, DN)], osem)
        return 0
    lax.fori_loop(0, DCD, d_body, 0)
    gl = wid * RTD + (DCD - 1) * DN
    pltpu.make_async_copy(wbuf.at[pl.ds(0, DN)],
                          out.at[pl.ds(gl, DN)], osem).wait()


def _make_kernels():
    mesh = plsc.VectorSubcoreMesh(core_axis_name="c", subcore_axis_name="s")
    scatter_k = functools.partial(
        pl.kernel,
        out_type=jax.ShapeDtypeStruct((M_C * 4,), jnp.float32),
        mesh=mesh,
        compiler_params=pltpu.CompilerParams(use_tc_tiling_on_sc=True,
                                             needs_layout_passes=False),
        scratch_types=[
            pltpu.VMEM((UB,), jnp.int32),
            pltpu.VMEM((UB * 3,), jnp.float32),
            pltpu.VMEM((UC * 4,), jnp.float32),
            pltpu.VMEM((UC * 4 // SCH, SCH), jnp.int32),
            pltpu.VMEM((ZCW,), jnp.float32),
            pltpu.VMEM((ZCW,), jnp.float32),
            pltpu.VMEM_SHARED((ACC_WORDS,), jnp.float32),
            pltpu.SemaphoreType.DMA,
        ],
    )(_scatter_body)
    dense_k = functools.partial(
        pl.kernel,
        out_type=jax.ShapeDtypeStruct((M_C, 3), jnp.float32),
        mesh=mesh,
        compiler_params=pltpu.CompilerParams(use_tc_tiling_on_sc=False,
                                             needs_layout_passes=False),
        scratch_types=[
            pltpu.VMEM((DNP, 3), jnp.float32),
            pltpu.VMEM((DNP, 3), jnp.float32),
            pltpu.VMEM((DNP, 1), jnp.float32),
            pltpu.VMEM((DNP * 4,), jnp.float32),
            pltpu.VMEM((DNP, 3), jnp.float32),
            pltpu.SemaphoreType.DMA,
            pltpu.SemaphoreType.DMA,
        ],
    )(_dense_body)
    return scatter_k, dense_k
    return scatter_k, dense_k


_scatter_sc, _dense_sc = _make_kernels()


def kernel(means, colors, opacities, grad_vals, idx):
    grad_flat = grad_vals.reshape(B_C * 3)
    colors2d = colors.reshape(M_C, DIM_SH_C * 3)
    delta4 = _scatter_sc(grad_flat, idx)
    return _dense_sc(means, colors2d, opacities, delta4)

# --- scband reference (transcript-rebuilt; emitter-appended) ---
"""Pipeline reference for scband-gaussian-model-11914239279811 (READ-ONLY COPY).

The authoritative reference and input builder live on the scoring server;
editing this copy changes nothing except your own understanding.
"""

import jax, jax.numpy as jnp
import numpy as np

PHI = 0.01  # kwargs['phi']
M = 1000000
B = 131072
DIM_SH = 16  # num_sh_bases(sh_degree=3)


def setup_inputs(seed: int = 0) -> dict:
    key = jax.random.key(seed)
    k1, k2, k3, k4, k5 = jax.random.split(key, 5)
    means = jax.random.normal(k1, (M, 3), dtype=jnp.float32)
    colors = jax.random.normal(k2, (M, DIM_SH, 3), dtype=jnp.float32) * 0.1
    opacities = jax.random.normal(k3, (M, 1), dtype=jnp.float32)
    grad_vals = jax.random.normal(k4, (B, 3), dtype=jnp.float32) * 0.01
    idx = jax.random.randint(k5, (B,), 0, M, dtype=jnp.int32)
    return {"means": means, "colors": colors, "opacities": opacities,
            "grad_vals": grad_vals, "idx": idx}


def reference(means, colors, opacities, grad_vals, idx):
    # update_grad_accum: per-point grad norms scatter-accumulated into a [M] buffer
    g = jnp.sqrt(jnp.sum(grad_vals * grad_vals, axis=-1) + 1e-12)  # [B]
    grad_accum = jnp.zeros((means.shape[0],), dtype=means.dtype).at[idx].add(g)
    # densify-style clone offset scattered back into the means memory
    new_means = means.at[idx].add(PHI * grad_vals)  # [M, 3]
    # opacity activation (logit-parameterized opacities)
    alpha = jax.nn.sigmoid(opacities)  # [M, 1]
    # DC spherical-harmonic band of the color table (gather of band 0)
    base_color = colors[:, 0, :]  # [M, 3]
    out = new_means * alpha + base_color + grad_accum[:, None]  # [M, 3]
    return out

if __name__ == "__main__":
    import jax
    _d = setup_inputs()
    print(jax.jit(kernel)(*tuple(_d.values())))

</pallas_src>

<mosaic_0001>
#map = affine_map<(d0, d1) -> (0)>
module attributes {stable_mosaic.version = 14 : i64} {
  func.func @_scatter_body(%arg0: i32, %arg1: i32, %arg2: memref<393216xf32, #tpu.memory_space<hbm>>, %arg3: memref<131072xi32, #tpu.memory_space<hbm>>, %arg4: memref<4000000xf32, #tpu.memory_space<hbm>>, %arg5: memref<8192xi32, #tpu.memory_space<vmem>>, %arg6: memref<24576xf32, #tpu.memory_space<vmem>>, %arg7: memref<2048xf32, #tpu.memory_space<vmem>>, %arg8: memref<16x128xi32, #tpu.memory_space<vmem>>, %arg9: memref<2560xf32, #tpu.memory_space<vmem>>, %arg10: memref<2560xf32, #tpu.memory_space<vmem>>, %arg11: memref<1000064xf32, #tpu.memory_space<vmem_shared>>, %arg12: memref<!tpu.dma_semaphore, #tpu.memory_space<semaphore_mem>>) attributes {dimension_semantics = [#tpu.dimension_semantics<core_parallel>, #tpu.dimension_semantics<subcore_parallel>], iteration_bounds = array<i64: 2, 16>, scalar_prefetch = 0 : i64, scratch_operands = 8 : i64, tpu.core_type = #tpu.core_type<sc_vector_subcore>, window_params = [{transform_indices = #map}, {transform_indices = #map}, {transform_indices = #map}]} {
    %iota3A = tpu.iota {dimensions = array<i32: 0>} : vector<16xi32>
    %broadcast_in_dim3A = arith.constant 0 : i32
    %broadcast_in_dim3A_0 = vector.broadcast %broadcast_in_dim3A : i32 to vector<16xi32>
    %broadcast_in_dim3A_1 = arith.constant 1 : i32
    %broadcast_in_dim3A_2 = vector.broadcast %broadcast_in_dim3A_1 : i32 to vector<16xi32>
    %broadcast_in_dim3A_3 = arith.constant 2 : i32
    %broadcast_in_dim3A_4 = vector.broadcast %broadcast_in_dim3A_3 : i32 to vector<16xi32>
    %broadcast_in_dim3A_5 = arith.constant 3 : i32
    %broadcast_in_dim3A_6 = vector.broadcast %broadcast_in_dim3A_5 : i32 to vector<16xi32>
    %broadcast_in_dim3A_7 = arith.constant 0.000000e+00 : f32
    %broadcast_in_dim3A_8 = vector.broadcast %broadcast_in_dim3A_7 : f32 to vector<16xf32>
    %mul3A = arith.constant 8192 : i32
    %mul3A_9 = arith.muli %arg1, %mul3A : i32
    %dma_start3A = tpu.memref_slice %arg3[%mul3A_9] : memref<131072xi32, #tpu.memory_space<hbm>> -> memref<8192xi32, #tpu.memory_space<hbm>>
    %dma_start3A_10 = tpu.memref_slice %arg3[%mul3A_9] : memref<131072xi32, #tpu.memory_space<hbm>> -> memref<8192xi32, #tpu.memory_space<hbm>>
    tpu.enqueue_dma source(%dma_start3A_10 : memref<8192xi32, #tpu.memory_space<hbm>>) target(%arg5 : memref<8192xi32, #tpu.memory_space<vmem>>) target_semaphore(%arg12 : memref<!tpu.dma_semaphore, #tpu.memory_space<semaphore_mem>>)
    %mul3A_11 = arith.constant 8192 : i32
    %mul3A_12 = arith.muli %arg1, %mul3A_11 : i32
    %mul3A_13 = arith.constant 3 : i32
    %mul3A_14 = arith.muli %mul3A_12, %mul3A_13 : i32
    %dma_start3A_15 = tpu.memref_slice %arg2[%mul3A_14] : memref<393216xf32, #tpu.memory_space<hbm>> -> memref<24576xf32, #tpu.memory_space<hbm>>
    %dma_start3A_16 = tpu.memref_slice %arg2[%mul3A_14] : memref<393216xf32, #tpu.memory_space<hbm>> -> memref<24576xf32, #tpu.memory_space<hbm>>
    tpu.enqueue_dma source(%dma_start3A_16 : memref<24576xf32, #tpu.memory_space<hbm>>) target(%arg6 : memref<24576xf32, #tpu.memory_space<vmem>>) target_semaphore(%arg12 : memref<!tpu.dma_semaphore, #tpu.memory_space<semaphore_mem>>)
    %scan3A = arith.constant 0 : i32
    %scan3A_17 = arith.constant 0 : i32
    %scan3A_18 = arith.constant 160 : i32
    %scan3A_19 = arith.addi %scan3A_17, %scan3A_18 : i32
    %scan3A_20 = arith.constant 1 : i32
    %scan3A_21 = scf.for %scan3A_33 = %scan3A_17 to %scan3A_19 step %scan3A_20 iter_args(%scan3A_34 = %scan3A) -> (i32)  : i32 {
      %mul3A_35 = arith.constant 16 : i32
      %mul3A_36 = arith.muli %scan3A_33, %mul3A_35 : i32
      %add3A = vector.broadcast %mul3A_36 : i32 to vector<16xi32>
      %add3A_37 = arith.addi %add3A, %iota3A : vector<16xi32>
      tpu.vector_store_idx %arg9[%add3A_37], %broadcast_in_dim3A_8 : memref<2560xf32, #tpu.memory_space<vmem>>[vector<16xi32>], vector<16xf32>,
      %scan3A_38 = arith.constant 0 : i32
      scf.yield %scan3A_38 : i32
    }
    %scan3A_22 = arith.constant 160 : i32
    %dma_wait3A = tpu.memref_slice %arg3[%mul3A_9] : memref<131072xi32, #tpu.memory_space<hbm>> -> memref<8192xi32, #tpu.memory_space<hbm>>
    %dma_wait3A_23 = tpu.memref_slice %arg3[%mul3A_9] : memref<131072xi32, #tpu.memory_space<hbm>> -> memref<8192xi32, #tpu.memory_space<hbm>>
    tpu.wait_dma2 semaphore(%arg12 : memref<!tpu.dma_semaphore, #tpu.memory_space<semaphore_mem>>) src(%dma_wait3A_23 : memref<8192xi32, #tpu.memory_space<hbm>>) dst(%arg5 : memref<8192xi32, #tpu.memory_space<vmem>>)
    %dma_wait3A_24 = tpu.memref_slice %arg2[%mul3A_14] : memref<393216xf32, #tpu.memory_space<hbm>> -> memref<24576xf32, #tpu.memory_space<hbm>>
    %dma_wait3A_25 = tpu.memref_slice %arg2[%mul3A_14] : memref<393216xf32, #tpu.memory_space<hbm>> -> memref<24576xf32, #tpu.memory_space<hbm>>
    tpu.wait_dma2 semaphore(%arg12 : memref<!tpu.dma_semaphore, #tpu.memory_space<semaphore_mem>>) src(%dma_wait3A_25 : memref<24576xf32, #tpu.memory_space<hbm>>) dst(%arg6 : memref<24576xf32, #tpu.memory_space<vmem>>)
    %scan3A_26 = arith.constant 0 : i32
    %scan3A_27 = arith.constant 0 : i32
    %scan3A_28 = arith.constant 2 : i32
    %scan3A_29 = arith.addi %scan3A_27, %scan3A_28 : i32
    %scan3A_30 = arith.constant 1 : i32
    %scan3A_31 = scf.for %scan3A_33 = %scan3A_27 to %scan3A_29 step %scan3A_30 iter_args(%scan3A_34 = %scan3A_26) -> (i32)  : i32 {
      %mul3A_35 = arith.constant 500000 : i32
      %mul3A_36 = arith.muli %arg0, %mul3A_35 : i32
      %mul3A_37 = arith.constant 250000 : i32
      %mul3A_38 = arith.muli %scan3A_33, %mul3A_37 : i32
      %add3A = arith.addi %mul3A_36, %mul3A_38 : i32
      %scan3A_39 = arith.constant 0 : i32
      %scan3A_40 = arith.constant 0 : i32
      %scan3A_41 = arith.constant 25 : i32
      %scan3A_42 = arith.addi %scan3A_40, %scan3A_41 : i32
      %scan3A_43 = arith.constant 1 : i32
      %scan3A_44 = scf.for %scan3A_78 = %scan3A_40 to %scan3A_42 step %scan3A_43 iter_args(%scan3A_79 = %scan3A_39) -> (i32)  : i32 {
        %mul3A_80 = arith.constant 16 : i32
        %mul3A_81 = arith.muli %scan3A_78, %mul3A_80 : i32
        %add3A_82 = arith.addi %arg1, %mul3A_81 : i32
        %lt3A = arith.constant 390 : i32
        %lt3A_83 = arith.cmpi slt, %add3A_82, %lt3A : i32
        %convert_element_type3A_84 = arith.extui %lt3A_83 : i1 to i32
        %cond3A_85 = arith.constant 0 : i32
        %cond3A_86 = arith.cmpi ne, %convert_element_type3A_84, %cond3A_85 : i32
        scf.if %cond3A_86 {
          %mul3A_88 = arith.constant 2560 : i32
          %mul3A_89 = arith.muli %add3A_82, %mul3A_88 : i32
          %dma_start3A_90 = tpu.memref_slice %arg11[%mul3A_89] : memref<1000064xf32, #tpu.memory_space<vmem_shared>> -> memref<2560xf32, #tpu.memory_space<vmem_shared>>
          %dma_start3A_91 = tpu.memref_slice %arg11[%mul3A_89] : memref<1000064xf32, #tpu.memory_space<vmem_shared>> -> memref<2560xf32, #tpu.memory_space<vmem_shared>>
          tpu.enqueue_dma source(%arg9 : memref<2560xf32, #tpu.memory_space<vmem>>) target(%dma_start3A_91 : memref<2560xf32, #tpu.memory_space<vmem_shared>>) target_semaphore(%arg12 : memref<!tpu.dma_semaphore, #tpu.memory_space<semaphore_mem>>)
        } else {
        }
        %scan3A_87 = arith.constant 0 : i32
        scf.yield %scan3A_87 : i32
      }
      %scan3A_45 = arith.constant 25 : i32
      %scan3A_46 = arith.constant 0 : i32
      %scan3A_47 = arith.constant 0 : i32
      %scan3A_48 = arith.constant 25 : i32
      %scan3A_49 = arith.addi %scan3A_47, %scan3A_48 : i32
      %scan3A_50 = arith.constant 1 : i32
      %scan3A_51 = scf.for %scan3A_78 = %scan3A_47 to %scan3A_49 step %scan3A_50 iter_args(%scan3A_79 = %scan3A_46) -> (i32)  : i32 {
        %mul3A_80 = arith.constant 16 : i32
        %mul3A_81 = arith.muli %scan3A_78, %mul3A_80 : i32
        %add3A_82 = arith.addi %arg1, %mul3A_81 : i32
        %lt3A = arith.constant 390 : i32
        %lt3A_83 = arith.cmpi slt, %add3A_82, %lt3A : i32
        %convert_element_type3A_84 = arith.extui %lt3A_83 : i1 to i32
        %cond3A_85 = arith.constant 0 : i32
        %cond3A_86 = arith.cmpi ne, %convert_element_type3A_84, %cond3A_85 : i32
        scf.if %cond3A_86 {
          %mul3A_88 = arith.constant 2560 : i32
          %mul3A_89 = arith.muli %add3A_82, %mul3A_88 : i32
          %dma_wait3A_90 = tpu.memref_slice %arg11[%mul3A_89] : memref<1000064xf32, #tpu.memory_space<vmem_shared>> -> memref<2560xf32, #tpu.memory_space<vmem_shared>>
          %dma_wait3A_91 = tpu.memref_slice %arg11[%mul3A_89] : memref<1000064xf32, #tpu.memory_space<vmem_shared>> -> memref<2560xf32, #tpu.memory_space<vmem_shared>>
          tpu.wait_dma2 semaphore(%arg12 : memref<!tpu.dma_semaphore, #tpu.memory_space<semaphore_mem>>) src(%arg9 : memref<2560xf32, #tpu.memory_space<vmem>>) dst(%dma_wait3A_91 : memref<2560xf32, #tpu.memory_space<vmem_shared>>)
        } else {
        }
        %scan3A_87 = arith.constant 0 : i32
        scf.yield %scan3A_87 : i32
      }
      %scan3A_52 = arith.constant 25 : i32
      %eq3A = arith.constant 7 : i32
      %eq3A_53 = arith.cmpi eq, %arg1, %eq3A : i32
      %convert_element_type3A = arith.extui %eq3A_53 : i1 to i32
      %cond3A = arith.constant 0 : i32
      %cond3A_54 = arith.cmpi ne, %convert_element_type3A, %cond3A : i32
      scf.if %cond3A_54 {
        "tpu.region"() ({
          %run_scoped3A = tpu.sem_alloc : memref<!tpu.dma_semaphore, #tpu.memory_space<semaphore_mem>>
          %dma_start3A_78 = arith.constant 0 : i32
          %dma_start3A_79 = tpu.memref_slice %arg9[%dma_start3A_78] : memref<2560xf32, #tpu.memory_space<vmem>> -> memref<1600xf32, #tpu.memory_space<vmem>>
          %dma_start3A_80 = arith.constant 998400 : i32
          %dma_start3A_81 = tpu.memref_slice %arg11[%dma_start3A_80] : memref<1000064xf32, #tpu.memory_space<vmem_shared>> -> memref<1600xf32, #tpu.memory_space<vmem_shared>>
          %dma_start3A_82 = arith.constant 998400 : i32
          %dma_start3A_83 = tpu.memref_slice %arg11[%dma_start3A_82] : memref<1000064xf32, #tpu.memory_space<vmem_shared>> -> memref<1600xf32, #tpu.memory_space<vmem_shared>>
          %dma_start3A_84 = arith.constant 0 : i32
          %dma_start3A_85 = tpu.memref_slice %arg9[%dma_start3A_84] : memref<2560xf32, #tpu.memory_space<vmem>> -> memref<1600xf32, #tpu.memory_space<vmem>>
          tpu.enqueue_dma source(%dma_start3A_85 : memref<1600xf32, #tpu.memory_space<vmem>>) target(%dma_start3A_83 : memref<1600xf32, #tpu.memory_space<vmem_shared>>) target_semaphore(%run_scoped3A : memref<!tpu.dma_semaphore, #tpu.memory_space<semaphore_mem>>)
          %dma_wait3A_86 = arith.constant 0 : i32
          %dma_wait3A_87 = tpu.memref_slice %arg9[%dma_wait3A_86] : memref<2560xf32, #tpu.memory_space<vmem>> -> memref<1600xf32, #tpu.memory_space<vmem>>
          %dma_wait3A_88 = arith.constant 998400 : i32
          %dma_wait3A_89 = tpu.memref_slice %arg11[%dma_wait3A_88] : memref<1000064xf32, #tpu.memory_space<vmem_shared>> -> memref<1600xf32, #tpu.memory_space<vmem_shared>>
          %dma_wait3A_90 = arith.constant 998400 : i32
          %dma_wait3A_91 = tpu.memref_slice %arg11[%dma_wait3A_90] : memref<1000064xf32, #tpu.memory_space<vmem_shared>> -> memref<1600xf32, #tpu.memory_space<vmem_shared>>
          %dma_wait3A_92 = arith.constant 0 : i32
          %dma_wait3A_93 = tpu.memref_slice %arg9[%dma_wait3A_92] : memref<2560xf32, #tpu.memory_space<vmem>> -> memref<1600xf32, #tpu.memory_space<vmem>>
          tpu.wait_dma2 semaphore(%run_scoped3A : memref<!tpu.dma_semaphore, #tpu.memory_space<semaphore_mem>>) src(%dma_wait3A_93 : memref<1600xf32, #tpu.memory_space<vmem>>) dst(%dma_wait3A_91 : memref<1600xf32, #tpu.memory_space<vmem_shared>>)
          tpu.yield
        }) : () -> ()
      } else {
      }
      %barrier3A = arith.constant 0 : index
      tpu.barrier barrier_id(%barrier3A)
      %scan3A_55 = arith.constant 0 : i32
      %scan3A_56 = arith.constant 0 : i32
      %scan3A_57 = arith.constant 16 : i32
      %scan3A_58 = arith.addi %scan3A_56, %scan3A_57 : i32
      %scan3A_59 = arith.constant 1 : i32
      %scan3A_60 = scf.for %scan3A_78 = %scan3A_56 to %scan3A_58 step %scan3A_59 iter_args(%scan3A_79 = %scan3A_55) -> (i32)  : i32 {
        %mul3A_80 = arith.constant 512 : i32
        %mul3A_81 = arith.muli %scan3A_78, %mul3A_80 : i32
        %scan3A_82 = arith.constant 0 : i32
        %scan3A_83 = arith.constant 0 : i32
        %scan3A_84 = arith.constant 32 : i32
        %scan3A_85 = arith.addi %scan3A_83, %scan3A_84 : i32
        %scan3A_86 = arith.constant 1 : i32
        %scan3A_87 = scf.for %scan3A_104 = %scan3A_83 to %scan3A_85 step %scan3A_86 iter_args(%scan3A_105 = %scan3A_82) -> (i32)  : i32 {
          %mul3A_106 = arith.constant 16 : i32
          %mul3A_107 = arith.muli %scan3A_104, %mul3A_106 : i32
          %add3A_108 = vector.broadcast %mul3A_107 : i32 to vector<16xi32>
          %add3A_109 = arith.addi %add3A_108, %iota3A : vector<16xi32>
          %add3A_110 = vector.broadcast %mul3A_81 : i32 to vector<16xi32>
          %add3A_111 = arith.addi %add3A_110, %add3A_109 : vector<16xi32>
          %gather3A = tpu.vector_load_idx %arg5[%add3A_111] : memref<8192xi32, #tpu.memory_space<vmem>>[vector<16xi32>], vector<16xi32>,
          %mul3A_112 = arith.constant 3 : i32
          %mul3A_113 = vector.broadcast %mul3A_112 : i32 to vector<16xi32>
          %mul3A_114 = arith.muli %add3A_111, %mul3A_113 : vector<16xi32>
          %gather3A_115 = tpu.vector_load_idx %arg6[%mul3A_114] : memref<24576xf32, #tpu.memory_space<vmem>>[vector<16xi32>], vector<16xf32>,
          %add3A_116 = arith.constant 1 : i32
          %add3A_117 = vector.broadcast %add3A_116 : i32 to vector<16xi32>
          %add3A_118 = arith.addi %mul3A_114, %add3A_117 : vector<16xi32>
          %gather3A_119 = tpu.vector_load_idx %arg6[%add3A_118] : memref<24576xf32, #tpu.memory_space<vmem>>[vector<16xi32>], vector<16xf32>,
          %add3A_120 = arith.constant 2 : i32
          %add3A_121 = vector.broadcast %add3A_120 : i32 to vector<16xi32>
          %add3A_122 = arith.addi %mul3A_114, %add3A_121 : vector<16xi32>
          %gather3A_123 = tpu.vector_load_idx %arg6[%add3A_122] : memref<24576xf32, #tpu.memory_space<vmem>>[vector<16xi32>], vector<16xf32>,
          %mul3A_124 = arith.mulf %gather3A_115, %gather3A_115 : vector<16xf32>
          %mul3A_125 = arith.mulf %gather3A_119, %gather3A_119 : vector<16xf32>
          %add3A_126 = arith.addf %mul3A_124, %mul3A_125 : vector<16xf32>
          %mul3A_127 = arith.mulf %gather3A_123, %gather3A_123 : vector<16xf32>
          %add3A_128 = arith.addf %add3A_126, %mul3A_127 : vector<16xf32>
          %add3A_129 = arith.constant 9.99999996E-13 : f32
          %add3A_130 = vector.broadcast %add3A_129 : f32 to vector<16xf32>
          %add3A_131 = arith.addf %add3A_128, %add3A_130 : vector<16xf32>
          %bitcast3A = vector.bitcast %add3A_131 : vector<16xf32> to vector<16xi32>
          %shift_right_arithmetic3A = arith.constant 1 : i32
          %shift_right_arithmetic3A_132 = vector.broadcast %shift_right_arithmetic3A : i32 to vector<16xi32>
          %shift_right_arithmetic3A_133 = arith.shrsi %bitcast3A, %shift_right_arithmetic3A_132 : vector<16xi32>
          %sub3A = arith.constant 1597463007 : i32
          %sub3A_134 = vector.broadcast %sub3A : i32 to vector<16xi32>
          %sub3A_135 = arith.subi %sub3A_134, %shift_right_arithmetic3A_133 : vector<16xi32>
          %bitcast3A_136 = vector.bitcast %sub3A_135 : vector<16xi32> to vector<16xf32>
          %mul3A_137 = arith.constant 5.000000e-01 : f32
          %mul3A_138 = vector.broadcast %mul3A_137 : f32 to vector<16xf32>
          %mul3A_139 = arith.mulf %mul3A_138, %add3A_131 : vector<16xf32>
          %mul3A_140 = arith.mulf %mul3A_139, %bitcast3A_136 : vector<16xf32>
          %mul3A_141 = arith.mulf %mul3A_140, %bitcast3A_136 : vector<16xf32>
          %sub3A_142 = arith.constant 1.500000e+00 : f32
          %sub3A_143 = vector.broadcast %sub3A_142 : f32 to vector<16xf32>
          %sub3A_144 = arith.subf %sub3A_143, %mul3A_141 : vector<16xf32>
          %mul3A_145 = arith.mulf %bitcast3A_136, %sub3A_144 : vector<16xf32>
          %mul3A_146 = arith.constant 5.000000e-01 : f32
          %mul3A_147 = vector.broadcast %mul3A_146 : f32 to vector<16xf32>
          %mul3A_148 = arith.mulf %mul3A_147, %add3A_131 : vector<16xf32>
          %mul3A_149 = arith.mulf %mul3A_148, %mul3A_145 : vector<16xf32>
          %mul3A_150 = arith.mulf %mul3A_149, %mul3A_145 : vector<16xf32>
          %sub3A_151 = arith.constant 1.500000e+00 : f32
          %sub3A_152 = vector.broadcast %sub3A_151 : f32 to vector<16xf32>
          %sub3A_153 = arith.subf %sub3A_152, %mul3A_150 : vector<16xf32>
          %mul3A_154 = arith.mulf %mul3A_145, %sub3A_153 : vector<16xf32>
          %mul3A_155 = arith.constant 5.000000e-01 : f32
          %mul3A_156 = vector.broadcast %mul3A_155 : f32 to vector<16xf32>
          %mul3A_157 = arith.mulf %mul3A_156, %add3A_131 : vector<16xf32>
          %mul3A_158 = arith.mulf %mul3A_157, %mul3A_154 : vector<16xf32>
          %mul3A_159 = arith.mulf %mul3A_158, %mul3A_154 : vector<16xf32>
          %sub3A_160 = arith.constant 1.500000e+00 : f32
          %sub3A_161 = vector.broadcast %sub3A_160 : f32 to vector<16xf32>
          %sub3A_162 = arith.subf %sub3A_161, %mul3A_159 : vector<16xf32>
          %mul3A_163 = arith.mulf %mul3A_154, %sub3A_162 : vector<16xf32>
          %mul3A_164 = arith.mulf %add3A_131, %mul3A_163 : vector<16xf32>
          %mul3A_165 = arith.constant 4 : i32
          %mul3A_166 = vector.broadcast %mul3A_165 : i32 to vector<16xi32>
          %mul3A_167 = arith.muli %add3A_109, %mul3A_166 : vector<16xi32>
          %mul3A_168 = arith.constant 0.00999999977 : f32
          %mul3A_169 = vector.broadcast %mul3A_168 : f32 to vector<16xf32>
          %mul3A_170 = arith.mulf %gather3A_115, %mul3A_169 : vector<16xf32>
          tpu.vector_store_idx %arg7[%mul3A_167], %mul3A_170 : memref<2048xf32, #tpu.memory_space<vmem>>[vector<16xi32>], vector<16xf32>,
          %add3A_171 = arith.constant 1 : i32
          %add3A_172 = vector.broadcast %add3A_171 : i32 to vector<16xi32>
          %add3A_173 = arith.addi %mul3A_167, %add3A_172 : vector<16xi32>
          %mul3A_174 = arith.constant 0.00999999977 : f32
          %mul3A_175 = vector.broadcast %mul3A_174 : f32 to vector<16xf32>
          %mul3A_176 = arith.mulf %gather3A_119, %mul3A_175 : vector<16xf32>
          tpu.vector_store_idx %arg7[%add3A_173], %mul3A_176 : memref<2048xf32, #tpu.memory_space<vmem>>[vector<16xi32>], vector<16xf32>,
          %add3A_177 = arith.constant 2 : i32
          %add3A_178 = vector.broadcast %add3A_177 : i32 to vector<16xi32>
          %add3A_179 = arith.addi %mul3A_167, %add3A_178 : vector<16xi32>
          %mul3A_180 = arith.constant 0.00999999977 : f32
          %mul3A_181 = vector.broadcast %mul3A_180 : f32 to vector<16xf32>
          %mul3A_182 = arith.mulf %gather3A_123, %mul3A_181 : vector<16xf32>
          tpu.vector_store_idx %arg7[%add3A_179], %mul3A_182 : memref<2048xf32, #tpu.memory_space<vmem>>[vector<16xi32>], vector<16xf32>,
          %add3A_183 = arith.constant 3 : i32
          %add3A_184 = vector.broadcast %add3A_183 : i32 to vector<16xi32>
          %add3A_185 = arith.addi %mul3A_167, %add3A_184 : vector<16xi32>
          tpu.vector_store_idx %arg7[%add3A_185], %mul3A_164 : memref<2048xf32, #tpu.memory_space<vmem>>[vector<16xi32>], vector<16xf32>,
          %sub3A_186 = vector.broadcast %add3A : i32 to vector<16xi32>
          %sub3A_187 = arith.subi %gather3A, %sub3A_186 : vector<16xi32>
          %ge3A = arith.constant 0 : i32
          %ge3A_188 = vector.broadcast %ge3A : i32 to vector<16xi32>
          %ge3A_189 = arith.cmpi sge, %sub3A_187, %ge3A_188 : vector<16xi32>
          %lt3A = arith.constant 250000 : i32
          %lt3A_190 = vector.broadcast %lt3A : i32 to vector<16xi32>
          %lt3A_191 = arith.cmpi slt, %sub3A_187, %lt3A_190 : vector<16xi32>
          %and3A = arith.andi %ge3A_189, %lt3A_191 : vector<16xi1>
          %add3A_192 = arith.constant 250000 : i32
          %add3A_193 = arith.addi %add3A_192, %arg1 : i32
          %broadcast_in_dim3A_194 = vector.broadcast %add3A_193 : i32 to vector<16xi32>
          %select_n3A = arith.select %and3A, %sub3A_187, %broadcast_in_dim3A_194 : vector<16xi1>, vector<16xi32>
          %mul3A_195 = arith.constant 4 : i32
          %mul3A_196 = vector.broadcast %mul3A_195 : i32 to vector<16xi32>
          %mul3A_197 = arith.muli %select_n3A, %mul3A_196 : vector<16xi32>
          %shift_right_arithmetic3A_198 = arith.constant 7 : i32
          %shift_right_arithmetic3A_199 = vector.broadcast %shift_right_arithmetic3A_198 : i32 to vector<16xi32>
          %shift_right_arithmetic3A_200 = arith.shrsi %mul3A_167, %shift_right_arithmetic3A_199 : vector<16xi32>
          %and3A_201 = arith.constant 127 : i32
          %and3A_202 = vector.broadcast %and3A_201 : i32 to vector<16xi32>
          %and3A_203 = arith.andi %mul3A_167, %and3A_202 : vector<16xi32>
          tpu.vector_store_idx %arg8[%shift_right_arithmetic3A_200, %and3A_203], %mul3A_197 : memref<16x128xi32, #tpu.memory_space<vmem>>[vector<16xi32>, vector<16xi32>], vector<16xi32>,
          %add3A_204 = arith.constant 1 : i32
          %add3A_205 = vector.broadcast %add3A_204 : i32 to vector<16xi32>
          %add3A_206 = arith.addi %mul3A_167, %add3A_205 : vector<16xi32>
          %shift_right_arithmetic3A_207 = arith.constant 7 : i32
          %shift_right_arithmetic3A_208 = vector.broadcast %shift_right_arithmetic3A_207 : i32 to vector<16xi32>
          %shift_right_arithmetic3A_209 = arith.shrsi %add3A_206, %shift_right_arithmetic3A_208 : vector<16xi32>
          %add3A_210 = arith.constant 1 : i32
          %add3A_211 = vector.broadcast %add3A_210 : i32 to vector<16xi32>
          %add3A_212 = arith.addi %mul3A_167, %add3A_211 : vector<16xi32>
          %and3A_213 = arith.constant 127 : i32
          %and3A_214 = vector.broadcast %and3A_213 : i32 to vector<16xi32>
          %and3A_215 = arith.andi %add3A_212, %and3A_214 : vector<16xi32>
          %add3A_216 = arith.constant 1 : i32
          %add3A_217 = vector.broadcast %add3A_216 : i32 to vector<16xi32>
          %add3A_218 = arith.addi %mul3A_197, %add3A_217 : vector<16xi32>
          tpu.vector_store_idx %arg8[%shift_right_arithmetic3A_209, %and3A_215], %add3A_218 : memref<16x128xi32, #tpu.memory_space<vmem>>[vector<16xi32>, vector<16xi32>], vector<16xi32>,
          %add3A_219 = arith.constant 2 : i32
          %add3A_220 = vector.broadcast %add3A_219 : i32 to vector<16xi32>
          %add3A_221 = arith.addi %mul3A_167, %add3A_220 : vector<16xi32>
          %shift_right_arithmetic3A_222 = arith.constant 7 : i32
          %shift_right_arithmetic3A_223 = vector.broadcast %shift_right_arithmetic3A_222 : i32 to vector<16xi32>
          %shift_right_arithmetic3A_224 = arith.shrsi %add3A_221, %shift_right_arithmetic3A_223 : vector<16xi32>
          %add3A_225 = arith.constant 2 : i32
          %add3A_226 = vector.broadcast %add3A_225 : i32 to vector<16xi32>
          %add3A_227 = arith.addi %mul3A_167, %add3A_226 : vector<16xi32>
          %and3A_228 = arith.constant 127 : i32
          %and3A_229 = vector.broadcast %and3A_228 : i32 to vector<16xi32>
          %and3A_230 = arith.andi %add3A_227, %and3A_229 : vector<16xi32>
          %add3A_231 = arith.constant 2 : i32
          %add3A_232 = vector.broadcast %add3A_231 : i32 to vector<16xi32>
          %add3A_233 = arith.addi %mul3A_197, %add3A_232 : vector<16xi32>
          tpu.vector_store_idx %arg8[%shift_right_arithmetic3A_224, %and3A_230], %add3A_233 : memref<16x128xi32, #tpu.memory_space<vmem>>[vector<16xi32>, vector<16xi32>], vector<16xi32>,
          %add3A_234 = arith.constant 3 : i32
          %add3A_235 = vector.broadcast %add3A_234 : i32 to vector<16xi32>
          %add3A_236 = arith.addi %mul3A_167, %add3A_235 : vector<16xi32>
          %shift_right_arithmetic3A_237 = arith.constant 7 : i32
          %shift_right_arithmetic3A_238 = vector.broadcast %shift_right_arithmetic3A_237 : i32 to vector<16xi32>
          %shift_right_arithmetic3A_239 = arith.shrsi %add3A_236, %shift_right_arithmetic3A_238 : vector<16xi32>
          %add3A_240 = arith.constant 3 : i32
          %add3A_241 = vector.broadcast %add3A_240 : i32 to vector<16xi32>
          %add3A_242 = arith.addi %mul3A_167, %add3A_241 : vector<16xi32>
          %and3A_243 = arith.constant 127 : i32
          %and3A_244 = vector.broadcast %and3A_243 : i32 to vector<16xi32>
          %and3A_245 = arith.andi %add3A_242, %and3A_244 : vector<16xi32>
          %add3A_246 = arith.constant 3 : i32
          %add3A_247 = vector.broadcast %add3A_246 : i32 to vector<16xi32>
          %add3A_248 = arith.addi %mul3A_197, %add3A_247 : vector<16xi32>
          tpu.vector_store_idx %arg8[%shift_right_arithmetic3A_239, %and3A_245], %add3A_248 : memref<16x128xi32, #tpu.memory_space<vmem>>[vector<16xi32>, vector<16xi32>], vector<16xi32>,
          %scan3A_249 = arith.constant 0 : i32
          scf.yield %scan3A_249 : i32
        }
        %scan3A_88 = arith.constant 32 : i32
        %scan3A_89 = arith.constant 0 : i32
        %scan3A_90 = arith.constant 0 : i32
        %scan3A_91 = arith.constant 16 : i32
        %scan3A_92 = arith.addi %scan3A_90, %scan3A_91 : i32
        %scan3A_93 = arith.constant 1 : i32
        %scan3A_94 = scf.for %scan3A_104 = %scan3A_90 to %scan3A_92 step %scan3A_93 iter_args(%scan3A_105 = %scan3A_89) -> (i32)  : i32 {
          %mul3A_106 = arith.constant 128 : i32
          %mul3A_107 = arith.muli %scan3A_104, %mul3A_106 : i32
          %dma_start3A_108 = tpu.memref_slice %arg7[%mul3A_107] : memref<2048xf32, #tpu.memory_space<vmem>> -> memref<128xf32, #tpu.memory_space<vmem>>
          %dma_start3A_109 = arith.constant 0 : i32
          %dma_start3A_110 = tpu.memref_slice %arg8[%scan3A_104, %dma_start3A_109] : memref<16x128xi32, #tpu.memory_space<vmem>> -> memref<1x128xi32, #tpu.memory_space<vmem>>
          %dma_start3A_111 = tpu.memref_squeeze %dma_start3A_110 : memref<1x128xi32, #tpu.memory_space<vmem>> -> memref<128xi32, #tpu.memory_space<vmem>>
          %dma_start3A_112 = arith.constant 0 : i32
          %dma_start3A_113 = tpu.memref_slice %arg11[%dma_start3A_112] : memref<1000064xf32, #tpu.memory_space<vmem_shared>> -> memref<1000064xf32, #tpu.memory_space<vmem_shared>>
          tpu.enqueue_indirect_dma source(%dma_start3A_108 : memref<128xf32, #tpu.memory_space<vmem>>) target(%dma_start3A_113 : memref<1000064xf32, #tpu.memory_space<vmem_shared>>) offsets(%dma_start3A_111 : memref<128xi32, #tpu.memory_space<vmem>>) semaphore(%arg12 : memref<!tpu.dma_semaphore, #tpu.memory_space<semaphore_mem>>) {add = true}
          %scan3A_114 = arith.constant 0 : i32
          scf.yield %scan3A_114 : i32
        }
        %scan3A_95 = arith.constant 16 : i32
        %scan3A_96 = arith.constant 0 : i32
        %scan3A_97 = arith.constant 0 : i32
        %scan3A_98 = arith.constant 16 : i32
        %scan3A_99 = arith.addi %scan3A_97, %scan3A_98 : i32
        %scan3A_100 = arith.constant 1 : i32
        %scan3A_101 = scf.for %scan3A_104 = %scan3A_97 to %scan3A_99 step %scan3A_100 iter_args(%scan3A_105 = %scan3A_96) -> (i32)  : i32 {
          %mul3A_106 = arith.constant 128 : i32
          %mul3A_107 = arith.muli %scan3A_104, %mul3A_106 : i32
          %dma_wait3A_108 = tpu.memref_slice %arg7[%mul3A_107] : memref<2048xf32, #tpu.memory_space<vmem>> -> memref<128xf32, #tpu.memory_space<vmem>>
          %dma_wait3A_109 = arith.constant 0 : i32
          %dma_wait3A_110 = tpu.memref_slice %arg8[%scan3A_104, %dma_wait3A_109] : memref<16x128xi32, #tpu.memory_space<vmem>> -> memref<1x128xi32, #tpu.memory_space<vmem>>
          %dma_wait3A_111 = tpu.memref_squeeze %dma_wait3A_110 : memref<1x128xi32, #tpu.memory_space<vmem>> -> memref<128xi32, #tpu.memory_space<vmem>>
          %dma_wait3A_112 = arith.constant 0 : i32
          %dma_wait3A_113 = tpu.memref_slice %arg11[%dma_wait3A_112] : memref<1000064xf32, #tpu.memory_space<vmem_shared>> -> memref<1000064xf32, #tpu.memory_space<vmem_shared>>
          tpu.wait_indirect_dma semaphore(%arg12 : memref<!tpu.dma_semaphore, #tpu.memory_space<semaphore_mem>>) src(%dma_wait3A_108 : memref<128xf32, #tpu.memory_space<vmem>>) dst(%dma_wait3A_113 : memref<1000064xf32, #tpu.memory_space<vmem_shared>>)
          %scan3A_114 = arith.constant 0 : i32
          scf.yield %scan3A_114 : i32
        }
        %scan3A_102 = arith.constant 16 : i32
        %scan3A_103 = arith.constant 0 : i32
        scf.yield %scan3A_103 : i32
      }
      %scan3A_61 = arith.constant 16 : i32
      %barrier3A_62 = arith.constant 0 : index
      tpu.barrier barrier_id(%barrier3A_62)
      %mul3A_63 = arith.constant 4 : i32
      %mul3A_64 = arith.muli %add3A, %mul3A_63 : i32
      %scan3A_65 = arith.constant 0 : i32
      %scan3A_66 = arith.constant 0 : i32
      %scan3A_67 = arith.constant 25 : i32
      %scan3A_68 = arith.addi %scan3A_66, %scan3A_67 : i32
      %scan3A_69 = arith.constant 1 : i32
      %scan3A_70 = scf.for %scan3A_78 = %scan3A_66 to %scan3A_68 step %scan3A_69 iter_args(%scan3A_79 = %scan3A_65) -> (i32)  : i32 {
        %mul3A_80 = arith.constant 16 : i32
        %mul3A_81 = arith.muli %scan3A_78, %mul3A_80 : i32
        %add3A_82 = arith.addi %arg1, %mul3A_81 : i32
        %lt3A = arith.constant 390 : i32
        %lt3A_83 = arith.cmpi slt, %add3A_82, %lt3A : i32
        %convert_element_type3A_84 = arith.extui %lt3A_83 : i1 to i32
        %cond3A_85 = arith.constant 0 : i32
        %cond3A_86 = arith.cmpi ne, %convert_element_type3A_84, %cond3A_85 : i32
        scf.if %cond3A_86 {
          %mul3A_88 = arith.constant 2560 : i32
          %mul3A_89 = arith.muli %add3A_82, %mul3A_88 : i32
          "tpu.region"() ({
            %run_scoped3A = tpu.sem_alloc : memref<!tpu.dma_semaphore, #tpu.memory_space<semaphore_mem>>
            %dma_start3A_93 = tpu.memref_slice %arg11[%mul3A_89] : memref<1000064xf32, #tpu.memory_space<vmem_shared>> -> memref<2560xf32, #tpu.memory_space<vmem_shared>>
            %dma_start3A_94 = tpu.memref_slice %arg11[%mul3A_89] : memref<1000064xf32, #tpu.memory_space<vmem_shared>> -> memref<2560xf32, #tpu.memory_space<vmem_shared>>
            tpu.enqueue_dma source(%dma_start3A_94 : memref<2560xf32, #tpu.memory_space<vmem_shared>>) target(%arg10 : memref<2560xf32, #tpu.memory_space<vmem>>) target_semaphore(%run_scoped3A : memref<!tpu.dma_semaphore, #tpu.memory_space<semaphore_mem>>)
            %dma_wait3A_95 = tpu.memref_slice %arg11[%mul3A_89] : memref<1000064xf32, #tpu.memory_space<vmem_shared>> -> memref<2560xf32, #tpu.memory_space<vmem_shared>>
            %dma_wait3A_96 = tpu.memref_slice %arg11[%mul3A_89] : memref<1000064xf32, #tpu.memory_space<vmem_shared>> -> memref<2560xf32, #tpu.memory_space<vmem_shared>>
            tpu.wait_dma2 semaphore(%run_scoped3A : memref<!tpu.dma_semaphore, #tpu.memory_space<semaphore_mem>>) src(%dma_wait3A_96 : memref<2560xf32, #tpu.memory_space<vmem_shared>>) dst(%arg10 : memref<2560xf32, #tpu.memory_space<vmem>>)
            tpu.yield
          }) : () -> ()
          %mul3A_90 = arith.constant 2560 : i32
          %mul3A_91 = arith.muli %add3A_82, %mul3A_90 : i32
          %add3A_92 = arith.addi %mul3A_64, %mul3A_91 : i32
          "tpu.region"() ({
            %run_scoped3A = tpu.sem_alloc : memref<!tpu.dma_semaphore, #tpu.memory_space<semaphore_mem>>
            %dma_start3A_93 = tpu.memref_slice %arg4[%add3A_92] : memref<4000000xf32, #tpu.memory_space<hbm>> -> memref<2560xf32, #tpu.memory_space<hbm>>
            %dma_start3A_94 = tpu.memref_slice %arg4[%add3A_92] : memref<4000000xf32, #tpu.memory_space<hbm>> -> memref<2560xf32, #tpu.memory_space<hbm>>
            tpu.enqueue_dma source(%arg10 : memref<2560xf32, #tpu.memory_space<vmem>>) target(%dma_start3A_94 : memref<2560xf32, #tpu.memory_space<hbm>>) target_semaphore(%run_scoped3A : memref<!tpu.dma_semaphore, #tpu.memory_space<semaphore_mem>>)
            %dma_wait3A_95 = tpu.memref_slice %arg4[%add3A_92] : memref<4000000xf32, #tpu.memory_space<hbm>> -> memref<2560xf32, #tpu.memory_space<hbm>>
            %dma_wait3A_96 = tpu.memref_slice %arg4[%add3A_92] : memref<4000000xf32, #tpu.memory_space<hbm>> -> memref<2560xf32, #tpu.memory_space<hbm>>
            tpu.wait_dma2 semaphore(%run_scoped3A : memref<!tpu.dma_semaphore, #tpu.memory_space<semaphore_mem>>) src(%arg10 : memref<2560xf32, #tpu.memory_space<vmem>>) dst(%dma_wait3A_96 : memref<2560xf32, #tpu.memory_space<hbm>>)
            tpu.yield
          }) : () -> ()
        } else {
        }
        %scan3A_87 = arith.constant 0 : i32
        scf.yield %scan3A_87 : i32
      }
      %scan3A_71 = arith.constant 25 : i32
      %eq3A_72 = arith.constant 7 : i32
      %eq3A_73 = arith.cmpi eq, %arg1, %eq3A_72 : i32
      %convert_element_type3A_74 = arith.extui %eq3A_73 : i1 to i32
      %cond3A_75 = arith.constant 0 : i32
      %cond3A_76 = arith.cmpi ne, %convert_element_type3A_74, %cond3A_75 : i32
      scf.if %cond3A_76 {
        "tpu.region"() ({
          %run_scoped3A = tpu.sem_alloc : memref<!tpu.dma_semaphore, #tpu.memory_space<semaphore_mem>>
          %dma_start3A_80 = arith.constant 0 : i32
          %dma_start3A_81 = tpu.memref_slice %arg10[%dma_start3A_80] : memref<2560xf32, #tpu.memory_space<vmem>> -> memref<1600xf32, #tpu.memory_space<vmem>>
          %dma_start3A_82 = arith.constant 998400 : i32
          %dma_start3A_83 = tpu.memref_slice %arg11[%dma_start3A_82] : memref<1000064xf32, #tpu.memory_space<vmem_shared>> -> memref<1600xf32, #tpu.memory_space<vmem_shared>>
          %dma_start3A_84 = arith.constant 0 : i32
          %dma_start3A_85 = tpu.memref_slice %arg10[%dma_start3A_84] : memref<2560xf32, #tpu.memory_space<vmem>> -> memref<1600xf32, #tpu.memory_space<vmem>>
          %dma_start3A_86 = arith.constant 998400 : i32
          %dma_start3A_87 = tpu.memref_slice %arg11[%dma_start3A_86] : memref<1000064xf32, #tpu.memory_space<vmem_shared>> -> memref<1600xf32, #tpu.memory_space<vmem_shared>>
          tpu.enqueue_dma source(%dma_start3A_87 : memref<1600xf32, #tpu.memory_space<vmem_shared>>) target(%dma_start3A_85 : memref<1600xf32, #tpu.memory_space<vmem>>) target_semaphore(%run_scoped3A : memref<!tpu.dma_semaphore, #tpu.memory_space<semaphore_mem>>)
          %dma_wait3A_88 = arith.constant 0 : i32
          %dma_wait3A_89 = tpu.memref_slice %arg10[%dma_wait3A_88] : memref<2560xf32, #tpu.memory_space<vmem>> -> memref<1600xf32, #tpu.memory_space<vmem>>
          %dma_wait3A_90 = arith.constant 998400 : i32
          %dma_wait3A_91 = tpu.memref_slice %arg11[%dma_wait3A_90] : memref<1000064xf32, #tpu.memory_space<vmem_shared>> -> memref<1600xf32, #tpu.memory_space<vmem_shared>>
          %dma_wait3A_92 = arith.constant 0 : i32
          %dma_wait3A_93 = tpu.memref_slice %arg10[%dma_wait3A_92] : memref<2560xf32, #tpu.memory_space<vmem>> -> memref<1600xf32, #tpu.memory_space<vmem>>
          %dma_wait3A_94 = arith.constant 998400 : i32
          %dma_wait3A_95 = tpu.memref_slice %arg11[%dma_wait3A_94] : memref<1000064xf32, #tpu.memory_space<vmem_shared>> -> memref<1600xf32, #tpu.memory_space<vmem_shared>>
          tpu.wait_dma2 semaphore(%run_scoped3A : memref<!tpu.dma_semaphore, #tpu.memory_space<semaphore_mem>>) src(%dma_wait3A_95 : memref<1600xf32, #tpu.memory_space<vmem_shared>>) dst(%dma_wait3A_93 : memref<1600xf32, #tpu.memory_space<vmem>>)
          tpu.yield
        }) : () -> ()
        %add3A_78 = arith.constant 998400 : i32
        %add3A_79 = arith.addi %mul3A_64, %add3A_78 : i32
        "tpu.region"() ({
          %run_scoped3A = tpu.sem_alloc : memref<!tpu.dma_semaphore, #tpu.memory_space<semaphore_mem>>
          %dma_start3A_80 = arith.constant 0 : i32
          %dma_start3A_81 = tpu.memref_slice %arg10[%dma_start3A_80] : memref<2560xf32, #tpu.memory_space<vmem>> -> memref<1600xf32, #tpu.memory_space<vmem>>
          %dma_start3A_82 = tpu.memref_slice %arg4[%add3A_79] : memref<4000000xf32, #tpu.memory_space<hbm>> -> memref<1600xf32, #tpu.memory_space<hbm>>
          %dma_start3A_83 = tpu.memref_slice %arg4[%add3A_79] : memref<4000000xf32, #tpu.memory_space<hbm>> -> memref<1600xf32, #tpu.memory_space<hbm>>
          %dma_start3A_84 = arith.constant 0 : i32
          %dma_start3A_85 = tpu.memref_slice %arg10[%dma_start3A_84] : memref<2560xf32, #tpu.memory_space<vmem>> -> memref<1600xf32, #tpu.memory_space<vmem>>
          tpu.enqueue_dma source(%dma_start3A_85 : memref<1600xf32, #tpu.memory_space<vmem>>) target(%dma_start3A_83 : memref<1600xf32, #tpu.memory_space<hbm>>) target_semaphore(%run_scoped3A : memref<!tpu.dma_semaphore, #tpu.memory_space<semaphore_mem>>)
          %dma_wait3A_86 = arith.constant 0 : i32
          %dma_wait3A_87 = tpu.memref_slice %arg10[%dma_wait3A_86] : memref<2560xf32, #tpu.memory_space<vmem>> -> memref<1600xf32, #tpu.memory_space<vmem>>
          %dma_wait3A_88 = tpu.memref_slice %arg4[%add3A_79] : memref<4000000xf32, #tpu.memory_space<hbm>> -> memref<1600xf32, #tpu.memory_space<hbm>>
          %dma_wait3A_89 = tpu.memref_slice %arg4[%add3A_79] : memref<4000000xf32, #tpu.memory_space<hbm>> -> memref<1600xf32, #tpu.memory_space<hbm>>
          %dma_wait3A_90 = arith.constant 0 : i32
          %dma_wait3A_91 = tpu.memref_slice %arg10[%dma_wait3A_90] : memref<2560xf32, #tpu.memory_space<vmem>> -> memref<1600xf32, #tpu.memory_space<vmem>>
          tpu.wait_dma2 semaphore(%run_scoped3A : memref<!tpu.dma_semaphore, #tpu.memory_space<semaphore_mem>>) src(%dma_wait3A_91 : memref<1600xf32, #tpu.memory_space<vmem>>) dst(%dma_wait3A_89 : memref<1600xf32, #tpu.memory_space<hbm>>)
          tpu.yield
        }) : () -> ()
      } else {
      }
      %scan3A_77 = arith.constant 0 : i32
      scf.yield %scan3A_77 : i32
    }
    %scan3A_32 = arith.constant 2 : i32
    return
  }
}

#map = affine_map<(d0, d1) -> (0, 0)>
#map1 = affine_map<(d0, d1) -> (0)>
module attributes {stable_mosaic.version = 14 : i64} {
  func.func @_dense_body(%arg0: i32, %arg1: i32, %arg2: memref<1000000x3xf32, #tpu.memory_space<hbm>>, %arg3: memref<1000000x48xf32, #tpu.memory_space<hbm>>, %arg4: memref<1000000x1xf32, #tpu.memory_space<hbm>>, %arg5: memref<4000000xf32, #tpu.memory_space<hbm>>, %arg6: memref<1000000x3xf32, #tpu.memory_space<hbm>>, %arg7: memref<1264x3xf32, #tpu.memory_space<vmem>>, %arg8: memref<1264x3xf32, #tpu.memory_space<vmem>>, %arg9: memref<1264x1xf32, #tpu.memory_space<vmem>>, %arg10: memref<5056xf32, #tpu.memory_space<vmem>>, %arg11: memref<1264x3xf32, #tpu.memory_space<vmem>>, %arg12: memref<!tpu.dma_semaphore, #tpu.memory_space<semaphore_mem>>, %arg13: memref<!tpu.dma_semaphore, #tpu.memory_space<semaphore_mem>>) attributes {dimension_semantics = [#tpu.dimension_semantics<core_parallel>, #tpu.dimension_semantics<subcore_parallel>], iteration_bounds = array<i64: 2, 16>, scalar_prefetch = 0 : i64, scratch_operands = 7 : i64, tpu.core_type = #tpu.core_type<sc_vector_subcore>, window_params = [{transform_indices = #map}, {transform_indices = #map}, {transform_indices = #map}, {transform_indices = #map1}, {transform_indices = #map}]} {
    %iota3A = tpu.iota {dimensions = array<i32: 0>} : vector<16xi32>
    %broadcast_in_dim3A = arith.constant 0 : i32
    %broadcast_in_dim3A_0 = vector.broadcast %broadcast_in_dim3A : i32 to vector<16xi32>
    %broadcast_in_dim3A_1 = arith.constant 1 : i32
    %broadcast_in_dim3A_2 = vector.broadcast %broadcast_in_dim3A_1 : i32 to vector<16xi32>
    %broadcast_in_dim3A_3 = arith.constant 2 : i32
    %broadcast_in_dim3A_4 = vector.broadcast %broadcast_in_dim3A_3 : i32 to vector<16xi32>
    %mul3A = arith.constant 16 : i32
    %mul3A_5 = arith.muli %arg0, %mul3A : i32
    %add3A = arith.addi %mul3A_5, %arg1 : i32
    %scan3A = arith.constant 0 : i32
    %scan3A_6 = arith.constant 0 : i32
    %scan3A_7 = arith.constant 25 : i32
    %scan3A_8 = arith.addi %scan3A_6, %scan3A_7 : i32
    %scan3A_9 = arith.constant 1 : i32
    %scan3A_10 = scf.for %scan3A_25 = %scan3A_6 to %scan3A_8 step %scan3A_9 iter_args(%scan3A_26 = %scan3A) -> (i32)  : i32 {
      %mul3A_27 = arith.constant 31250 : i32
      %mul3A_28 = arith.muli %add3A, %mul3A_27 : i32
      %mul3A_29 = arith.constant 1250 : i32
      %mul3A_30 = arith.muli %scan3A_25, %mul3A_29 : i32
      %add3A_31 = arith.addi %mul3A_28, %mul3A_30 : i32
      %dma_start3A = arith.constant 0 : i32
      %dma_start3A_32 = arith.constant 0 : i32
      %dma_start3A_33 = tpu.memref_slice %arg7[%dma_start3A, %dma_start3A_32] : memref<1264x3xf32, #tpu.memory_space<vmem>> -> memref<1250x3xf32, #tpu.memory_space<vmem>>
      %dma_start3A_34 = arith.constant 0 : i32
      %dma_start3A_35 = tpu.memref_slice %arg2[%add3A_31, %dma_start3A_34] : memref<1000000x3xf32, #tpu.memory_space<hbm>> -> memref<1250x3xf32, #tpu.memory_space<hbm>>
      %dma_start3A_36 = arith.constant 0 : i32
      %dma_start3A_37 = arith.constant 0 : i32
      %dma_start3A_38 = tpu.memref_slice %arg7[%dma_start3A_36, %dma_start3A_37] : memref<1264x3xf32, #tpu.memory_space<vmem>> -> memref<1250x3xf32, #tpu.memory_space<vmem>>
      %dma_start3A_39 = arith.constant 0 : i32
      %dma_start3A_40 = tpu.memref_slice %arg2[%add3A_31, %dma_start3A_39] : memref<1000000x3xf32, #tpu.memory_space<hbm>> -> memref<1250x3xf32, #tpu.memory_space<hbm>>
      tpu.enqueue_dma source(%dma_start3A_40 : memref<1250x3xf32, #tpu.memory_space<hbm>>) target(%dma_start3A_38 : memref<1250x3xf32, #tpu.memory_space<vmem>>) target_semaphore(%arg12 : memref<!tpu.dma_semaphore, #tpu.memory_space<semaphore_mem>>)
      %dma_start3A_41 = arith.constant 0 : i32
      %dma_start3A_42 = arith.constant 0 : i32
      %dma_start3A_43 = tpu.memref_slice %arg8[%dma_start3A_41, %dma_start3A_42] : memref<1264x3xf32, #tpu.memory_space<vmem>> -> memref<1250x3xf32, #tpu.memory_space<vmem>>
      %dma_start3A_44 = arith.constant 0 : i32
      %dma_start3A_45 = tpu.memref_slice %arg3[%add3A_31, %dma_start3A_44] : memref<1000000x48xf32, #tpu.memory_space<hbm>> -> memref<1250x3xf32, #tpu.memory_space<hbm>>
      %dma_start3A_46 = arith.constant 0 : i32
      %dma_start3A_47 = arith.constant 0 : i32
      %dma_start3A_48 = tpu.memref_slice %arg8[%dma_start3A_46, %dma_start3A_47] : memref<1264x3xf32, #tpu.memory_space<vmem>> -> memref<1250x3xf32, #tpu.memory_space<vmem>>
      %dma_start3A_49 = arith.constant 0 : i32
      %dma_start3A_50 = tpu.memref_slice %arg3[%add3A_31, %dma_start3A_49] : memref<1000000x48xf32, #tpu.memory_space<hbm>> -> memref<1250x3xf32, #tpu.memory_space<hbm>>
      tpu.enqueue_dma source(%dma_start3A_50 : memref<1250x3xf32, #tpu.memory_space<hbm>>) target(%dma_start3A_48 : memref<1250x3xf32, #tpu.memory_space<vmem>>) target_semaphore(%arg12 : memref<!tpu.dma_semaphore, #tpu.memory_space<semaphore_mem>>)
      %dma_start3A_51 = arith.constant 0 : i32
      %dma_start3A_52 = arith.constant 0 : i32
      %dma_start3A_53 = tpu.memref_slice %arg9[%dma_start3A_51, %dma_start3A_52] : memref<1264x1xf32, #tpu.memory_space<vmem>> -> memref<1250x1xf32, #tpu.memory_space<vmem>>
      %dma_start3A_54 = arith.constant 0 : i32
      %dma_start3A_55 = tpu.memref_slice %arg4[%add3A_31, %dma_start3A_54] : memref<1000000x1xf32, #tpu.memory_space<hbm>> -> memref<1250x1xf32, #tpu.memory_space<hbm>>
      %dma_start3A_56 = arith.constant 0 : i32
      %dma_start3A_57 = arith.constant 0 : i32
      %dma_start3A_58 = tpu.memref_slice %arg9[%dma_start3A_56, %dma_start3A_57] : memref<1264x1xf32, #tpu.memory_space<vmem>> -> memref<1250x1xf32, #tpu.memory_space<vmem>>
      %dma_start3A_59 = arith.constant 0 : i32
      %dma_start3A_60 = tpu.memref_slice %arg4[%add3A_31, %dma_start3A_59] : memref<1000000x1xf32, #tpu.memory_space<hbm>> -> memref<1250x1xf32, #tpu.memory_space<hbm>>
      tpu.enqueue_dma source(%dma_start3A_60 : memref<1250x1xf32, #tpu.memory_space<hbm>>) target(%dma_start3A_58 : memref<1250x1xf32, #tpu.memory_space<vmem>>) target_semaphore(%arg12 : memref<!tpu.dma_semaphore, #tpu.memory_space<semaphore_mem>>)
      %mul3A_61 = arith.constant 4 : i32
      %mul3A_62 = arith.muli %add3A_31, %mul3A_61 : i32
      %dma_start3A_63 = arith.constant 0 : i32
      %dma_start3A_64 = tpu.memref_slice %arg10[%dma_start3A_63] : memref<5056xf32, #tpu.memory_space<vmem>> -> memref<5000xf32, #tpu.memory_space<vmem>>
      %dma_start3A_65 = tpu.memref_slice %arg5[%mul3A_62] : memref<4000000xf32, #tpu.memory_space<hbm>> -> memref<5000xf32, #tpu.memory_space<hbm>>
      %dma_start3A_66 = arith.constant 0 : i32
      %dma_start3A_67 = tpu.memref_slice %arg10[%dma_start3A_66] : memref<5056xf32, #tpu.memory_space<vmem>> -> memref<5000xf32, #tpu.memory_space<vmem>>
      %dma_start3A_68 = tpu.memref_slice %arg5[%mul3A_62] : memref<4000000xf32, #tpu.memory_space<hbm>> -> memref<5000xf32, #tpu.memory_space<hbm>>
      tpu.enqueue_dma source(%dma_start3A_68 : memref<5000xf32, #tpu.memory_space<hbm>>) target(%dma_start3A_67 : memref<5000xf32, #tpu.memory_space<vmem>>) target_semaphore(%arg12 : memref<!tpu.dma_semaphore, #tpu.memory_space<semaphore_mem>>)
      %dma_wait3A_69 = arith.constant 0 : i32
      %dma_wait3A_70 = arith.constant 0 : i32
      %dma_wait3A_71 = tpu.memref_slice %arg7[%dma_wait3A_69, %dma_wait3A_70] : memref<1264x3xf32, #tpu.memory_space<vmem>> -> memref<1250x3xf32, #tpu.memory_space<vmem>>
      %dma_wait3A_72 = arith.constant 0 : i32
      %dma_wait3A_73 = tpu.memref_slice %arg2[%add3A_31, %dma_wait3A_72] : memref<1000000x3xf32, #tpu.memory_space<hbm>> -> memref<1250x3xf32, #tpu.memory_space<hbm>>
      %dma_wait3A_74 = arith.constant 0 : i32
      %dma_wait3A_75 = arith.constant 0 : i32
      %dma_wait3A_76 = tpu.memref_slice %arg7[%dma_wait3A_74, %dma_wait3A_75] : memref<1264x3xf32, #tpu.memory_space<vmem>> -> memref<1250x3xf32, #tpu.memory_space<vmem>>
      %dma_wait3A_77 = arith.constant 0 : i32
      %dma_wait3A_78 = tpu.memref_slice %arg2[%add3A_31, %dma_wait3A_77] : memref<1000000x3xf32, #tpu.memory_space<hbm>> -> memref<1250x3xf32, #tpu.memory_space<hbm>>
      tpu.wait_dma2 semaphore(%arg12 : memref<!tpu.dma_semaphore, #tpu.memory_space<semaphore_mem>>) src(%dma_wait3A_78 : memref<1250x3xf32, #tpu.memory_space<hbm>>) dst(%dma_wait3A_76 : memref<1250x3xf32, #tpu.memory_space<vmem>>)
      %dma_wait3A_79 = arith.constant 0 : i32
      %dma_wait3A_80 = arith.constant 0 : i32
      %dma_wait3A_81 = tpu.memref_slice %arg8[%dma_wait3A_79, %dma_wait3A_80] : memref<1264x3xf32, #tpu.memory_space<vmem>> -> memref<1250x3xf32, #tpu.memory_space<vmem>>
      %dma_wait3A_82 = arith.constant 0 : i32
      %dma_wait3A_83 = tpu.memref_slice %arg3[%add3A_31, %dma_wait3A_82] : memref<1000000x48xf32, #tpu.memory_space<hbm>> -> memref<1250x3xf32, #tpu.memory_space<hbm>>
      %dma_wait3A_84 = arith.constant 0 : i32
      %dma_wait3A_85 = arith.constant 0 : i32
      %dma_wait3A_86 = tpu.memref_slice %arg8[%dma_wait3A_84, %dma_wait3A_85] : memref<1264x3xf32, #tpu.memory_space<vmem>> -> memref<1250x3xf32, #tpu.memory_space<vmem>>
      %dma_wait3A_87 = arith.constant 0 : i32
      %dma_wait3A_88 = tpu.memref_slice %arg3[%add3A_31, %dma_wait3A_87] : memref<1000000x48xf32, #tpu.memory_space<hbm>> -> memref<1250x3xf32, #tpu.memory_space<hbm>>
      tpu.wait_dma2 semaphore(%arg12 : memref<!tpu.dma_semaphore, #tpu.memory_space<semaphore_mem>>) src(%dma_wait3A_88 : memref<1250x3xf32, #tpu.memory_space<hbm>>) dst(%dma_wait3A_86 : memref<1250x3xf32, #tpu.memory_space<vmem>>)
      %dma_wait3A_89 = arith.constant 0 : i32
      %dma_wait3A_90 = arith.constant 0 : i32
      %dma_wait3A_91 = tpu.memref_slice %arg9[%dma_wait3A_89, %dma_wait3A_90] : memref<1264x1xf32, #tpu.memory_space<vmem>> -> memref<1250x1xf32, #tpu.memory_space<vmem>>
      %dma_wait3A_92 = arith.constant 0 : i32
      %dma_wait3A_93 = tpu.memref_slice %arg4[%add3A_31, %dma_wait3A_92] : memref<1000000x1xf32, #tpu.memory_space<hbm>> -> memref<1250x1xf32, #tpu.memory_space<hbm>>
      %dma_wait3A_94 = arith.constant 0 : i32
      %dma_wait3A_95 = arith.constant 0 : i32
      %dma_wait3A_96 = tpu.memref_slice %arg9[%dma_wait3A_94, %dma_wait3A_95] : memref<1264x1xf32, #tpu.memory_space<vmem>> -> memref<1250x1xf32, #tpu.memory_space<vmem>>
      %dma_wait3A_97 = arith.constant 0 : i32
      %dma_wait3A_98 = tpu.memref_slice %arg4[%add3A_31, %dma_wait3A_97] : memref<1000000x1xf32, #tpu.memory_space<hbm>> -> memref<1250x1xf32, #tpu.memory_space<hbm>>
      tpu.wait_dma2 semaphore(%arg12 : memref<!tpu.dma_semaphore, #tpu.memory_space<semaphore_mem>>) src(%dma_wait3A_98 : memref<1250x1xf32, #tpu.memory_space<hbm>>) dst(%dma_wait3A_96 : memref<1250x1xf32, #tpu.memory_space<vmem>>)
      %dma_wait3A_99 = arith.constant 0 : i32
      %dma_wait3A_100 = tpu.memref_slice %arg10[%dma_wait3A_99] : memref<5056xf32, #tpu.memory_space<vmem>> -> memref<5000xf32, #tpu.memory_space<vmem>>
      %dma_wait3A_101 = tpu.memref_slice %arg5[%mul3A_62] : memref<4000000xf32, #tpu.memory_space<hbm>> -> memref<5000xf32, #tpu.memory_space<hbm>>
      %dma_wait3A_102 = arith.constant 0 : i32
      %dma_wait3A_103 = tpu.memref_slice %arg10[%dma_wait3A_102] : memref<5056xf32, #tpu.memory_space<vmem>> -> memref<5000xf32, #tpu.memory_space<vmem>>
      %dma_wait3A_104 = tpu.memref_slice %arg5[%mul3A_62] : memref<4000000xf32, #tpu.memory_space<hbm>> -> memref<5000xf32, #tpu.memory_space<hbm>>
      tpu.wait_dma2 semaphore(%arg12 : memref<!tpu.dma_semaphore, #tpu.memory_space<semaphore_mem>>) src(%dma_wait3A_104 : memref<5000xf32, #tpu.memory_space<hbm>>) dst(%dma_wait3A_103 : memref<5000xf32, #tpu.memory_space<vmem>>)
      %gt3A = arith.constant 0 : i32
      %gt3A_105 = arith.cmpi sgt, %scan3A_25, %gt3A : i32
      %convert_element_type3A = arith.extui %gt3A_105 : i1 to i32
      %cond3A = arith.constant 0 : i32
      %cond3A_106 = arith.cmpi ne, %convert_element_type3A, %cond3A : i32
      scf.if %cond3A_106 {
        %mul3A_125 = arith.constant 31250 : i32
        %mul3A_126 = arith.muli %add3A, %mul3A_125 : i32
        %sub3A = arith.constant 1 : i32
        %sub3A_127 = arith.subi %scan3A_25, %sub3A : i32
        %mul3A_128 = arith.constant 1250 : i32
        %mul3A_129 = arith.muli %sub3A_127, %mul3A_128 : i32
        %add3A_130 = arith.addi %mul3A_126, %mul3A_129 : i32
        %dma_wait3A_131 = arith.constant 0 : i32
        %dma_wait3A_132 = arith.constant 0 : i32
        %dma_wait3A_133 = tpu.memref_slice %arg11[%dma_wait3A_131, %dma_wait3A_132] : memref<1264x3xf32, #tpu.memory_space<vmem>> -> memref<1250x3xf32, #tpu.memory_space<vmem>>
        %dma_wait3A_134 = arith.constant 0 : i32
        %dma_wait3A_135 = tpu.memref_slice %arg6[%add3A_130, %dma_wait3A_134] : memref<1000000x3xf32, #tpu.memory_space<hbm>> -> memref<1250x3xf32, #tpu.memory_space<hbm>>
        %dma_wait3A_136 = arith.constant 0 : i32
        %dma_wait3A_137 = tpu.memref_slice %arg6[%add3A_130, %dma_wait3A_136] : memref<1000000x3xf32, #tpu.memory_space<hbm>> -> memref<1250x3xf32, #tpu.memory_space<hbm>>
        %dma_wait3A_138 = arith.constant 0 : i32
        %dma_wait3A_139 = arith.constant 0 : i32
        %dma_wait3A_140 = tpu.memref_slice %arg11[%dma_wait3A_138, %dma_wait3A_139] : memref<1264x3xf32, #tpu.memory_space<vmem>> -> memref<1250x3xf32, #tpu.memory_space<vmem>>
        tpu.wait_dma2 semaphore(%arg13 : memref<!tpu.dma_semaphore, #tpu.memory_space<semaphore_mem>>) src(%dma_wait3A_140 : memref<1250x3xf32, #tpu.memory_space<vmem>>) dst(%dma_wait3A_137 : memref<1250x3xf32, #tpu.memory_space<hbm>>)
      } else {
      }
      %scan3A_107 = arith.constant 0 : i32
      %scan3A_108 = arith.constant 0 : i32
      %scan3A_109 = arith.constant 79 : i32
      %scan3A_110 = arith.addi %scan3A_108, %scan3A_109 : i32
      %scan3A_111 = arith.constant 1 : i32
      %scan3A_112 = scf.for %scan3A_125 = %scan3A_108 to %scan3A_110 step %scan3A_111 iter_args(%scan3A_126 = %scan3A_107) -> (i32)  : i32 {
        %mul3A_127 = arith.constant 16 : i32
        %mul3A_128 = arith.muli %scan3A_125, %mul3A_127 : i32
        %add3A_129 = vector.broadcast %mul3A_128 : i32 to vector<16xi32>
        %add3A_130 = arith.addi %add3A_129, %iota3A : vector<16xi32>
        %gather3A = tpu.vector_load_idx %arg9[%add3A_130, %broadcast_in_dim3A_0] : memref<1264x1xf32, #tpu.memory_space<vmem>>[vector<16xi32>, vector<16xi32>], vector<16xf32>,
        %neg3A = arith.constant 0.000000e+00 : f32
        %neg3A_131 = vector.broadcast %neg3A : f32 to vector<16xf32>
        %neg3A_132 = arith.subf %neg3A_131, %gather3A : vector<16xf32>
        %exp3A = math.exp %neg3A_132 : vector<16xf32>
        %add3A_133 = arith.constant 1.000000e+00 : f32
        %add3A_134 = vector.broadcast %add3A_133 : f32 to vector<16xf32>
        %add3A_135 = arith.addf %add3A_134, %exp3A : vector<16xf32>
        %div3A = arith.constant 1.000000e+00 : f32
        %div3A_136 = vector.broadcast %div3A : f32 to vector<16xf32>
        %div3A_137 = arith.divf %div3A_136, %add3A_135 : vector<16xf32>
        %mul3A_138 = arith.constant 4 : i32
        %mul3A_139 = vector.broadcast %mul3A_138 : i32 to vector<16xi32>
        %mul3A_140 = arith.muli %add3A_130, %mul3A_139 : vector<16xi32>
        %gather3A_141 = tpu.vector_load_idx %arg10[%mul3A_140] : memref<5056xf32, #tpu.memory_space<vmem>>[vector<16xi32>], vector<16xf32>,
        %add3A_142 = arith.constant 1 : i32
        %add3A_143 = vector.broadcast %add3A_142 : i32 to vector<16xi32>
        %add3A_144 = arith.addi %mul3A_140, %add3A_143 : vector<16xi32>
        %gather3A_145 = tpu.vector_load_idx %arg10[%add3A_144] : memref<5056xf32, #tpu.memory_space<vmem>>[vector<16xi32>], vector<16xf32>,
        %add3A_146 = arith.constant 2 : i32
        %add3A_147 = vector.broadcast %add3A_146 : i32 to vector<16xi32>
        %add3A_148 = arith.addi %mul3A_140, %add3A_147 : vector<16xi32>
        %gather3A_149 = tpu.vector_load_idx %arg10[%add3A_148] : memref<5056xf32, #tpu.memory_space<vmem>>[vector<16xi32>], vector<16xf32>,
        %add3A_150 = arith.constant 3 : i32
        %add3A_151 = vector.broadcast %add3A_150 : i32 to vector<16xi32>
        %add3A_152 = arith.addi %mul3A_140, %add3A_151 : vector<16xi32>
        %gather3A_153 = tpu.vector_load_idx %arg10[%add3A_152] : memref<5056xf32, #tpu.memory_space<vmem>>[vector<16xi32>], vector<16xf32>,
        %gather3A_154 = tpu.vector_load_idx %arg7[%add3A_130, %broadcast_in_dim3A_0] : memref<1264x3xf32, #tpu.memory_space<vmem>>[vector<16xi32>, vector<16xi32>], vector<16xf32>,
        %gather3A_155 = tpu.vector_load_idx %arg7[%add3A_130, %broadcast_in_dim3A_2] : memref<1264x3xf32, #tpu.memory_space<vmem>>[vector<16xi32>, vector<16xi32>], vector<16xf32>,
        %gather3A_156 = tpu.vector_load_idx %arg7[%add3A_130, %broadcast_in_dim3A_4] : memref<1264x3xf32, #tpu.memory_space<vmem>>[vector<16xi32>, vector<16xi32>], vector<16xf32>,
        %gather3A_157 = tpu.vector_load_idx %arg8[%add3A_130, %broadcast_in_dim3A_0] : memref<1264x3xf32, #tpu.memory_space<vmem>>[vector<16xi32>, vector<16xi32>], vector<16xf32>,
        %gather3A_158 = tpu.vector_load_idx %arg8[%add3A_130, %broadcast_in_dim3A_2] : memref<1264x3xf32, #tpu.memory_space<vmem>>[vector<16xi32>, vector<16xi32>], vector<16xf32>,
        %gather3A_159 = tpu.vector_load_idx %arg8[%add3A_130, %broadcast_in_dim3A_4] : memref<1264x3xf32, #tpu.memory_space<vmem>>[vector<16xi32>, vector<16xi32>], vector<16xf32>,
        %add3A_160 = arith.addf %gather3A_154, %gather3A_141 : vector<16xf32>
        %mul3A_161 = arith.mulf %add3A_160, %div3A_137 : vector<16xf32>
        %add3A_162 = arith.addf %mul3A_161, %gather3A_157 : vector<16xf32>
        %add3A_163 = arith.addf %add3A_162, %gather3A_153 : vector<16xf32>
        tpu.vector_store_idx %arg11[%add3A_130, %broadcast_in_dim3A_0], %add3A_163 : memref<1264x3xf32, #tpu.memory_space<vmem>>[vector<16xi32>, vector<16xi32>], vector<16xf32>,
        %add3A_164 = arith.addf %gather3A_155, %gather3A_145 : vector<16xf32>
        %mul3A_165 = arith.mulf %add3A_164, %div3A_137 : vector<16xf32>
        %add3A_166 = arith.addf %mul3A_165, %gather3A_158 : vector<16xf32>
        %add3A_167 = arith.addf %add3A_166, %gather3A_153 : vector<16xf32>
        tpu.vector_store_idx %arg11[%add3A_130, %broadcast_in_dim3A_2], %add3A_167 : memref<1264x3xf32, #tpu.memory_space<vmem>>[vector<16xi32>, vector<16xi32>], vector<16xf32>,
        %add3A_168 = arith.addf %gather3A_156, %gather3A_149 : vector<16xf32>
        %mul3A_169 = arith.mulf %add3A_168, %div3A_137 : vector<16xf32>
        %add3A_170 = arith.addf %mul3A_169, %gather3A_159 : vector<16xf32>
        %add3A_171 = arith.addf %add3A_170, %gather3A_153 : vector<16xf32>
        tpu.vector_store_idx %arg11[%add3A_130, %broadcast_in_dim3A_4], %add3A_171 : memref<1264x3xf32, #tpu.memory_space<vmem>>[vector<16xi32>, vector<16xi32>], vector<16xf32>,
        %scan3A_172 = arith.constant 0 : i32
        scf.yield %scan3A_172 : i32
      }
      %scan3A_113 = arith.constant 79 : i32
      %dma_start3A_114 = arith.constant 0 : i32
      %dma_start3A_115 = arith.constant 0 : i32
      %dma_start3A_116 = tpu.memref_slice %arg11[%dma_start3A_114, %dma_start3A_115] : memref<1264x3xf32, #tpu.memory_space<vmem>> -> memref<1250x3xf32, #tpu.memory_space<vmem>>
      %dma_start3A_117 = arith.constant 0 : i32
      %dma_start3A_118 = tpu.memref_slice %arg6[%add3A_31, %dma_start3A_117] : memref<1000000x3xf32, #tpu.memory_space<hbm>> -> memref<1250x3xf32, #tpu.memory_space<hbm>>
      %dma_start3A_119 = arith.constant 0 : i32
      %dma_start3A_120 = tpu.memref_slice %arg6[%add3A_31, %dma_start3A_119] : memref<1000000x3xf32, #tpu.memory_space<hbm>> -> memref<1250x3xf32, #tpu.memory_space<hbm>>
      %dma_start3A_121 = arith.constant 0 : i32
      %dma_start3A_122 = arith.constant 0 : i32
      %dma_start3A_123 = tpu.memref_slice %arg11[%dma_start3A_121, %dma_start3A_122] : memref<1264x3xf32, #tpu.memory_space<vmem>> -> memref<1250x3xf32, #tpu.memory_space<vmem>>
      tpu.enqueue_dma source(%dma_start3A_123 : memref<1250x3xf32, #tpu.memory_space<vmem>>) target(%dma_start3A_120 : memref<1250x3xf32, #tpu.memory_space<hbm>>) target_semaphore(%arg13 : memref<!tpu.dma_semaphore, #tpu.memory_space<semaphore_mem>>)
      %scan3A_124 = arith.constant 0 : i32
      scf.yield %scan3A_124 : i32
    }
    %scan3A_11 = arith.constant 25 : i32
    %mul3A_12 = arith.constant 31250 : i32
    %mul3A_13 = arith.muli %add3A, %mul3A_12 : i32
    %add3A_14 = arith.constant 30000 : i32
    %add3A_15 = arith.addi %mul3A_13, %add3A_14 : i32
    %dma_wait3A = arith.constant 0 : i32
    %dma_wait3A_16 = arith.constant 0 : i32
    %dma_wait3A_17 = tpu.memref_slice %arg11[%dma_wait3A, %dma_wait3A_16] : memref<1264x3xf32, #tpu.memory_space<vmem>> -> memref<1250x3xf32, #tpu.memory_space<vmem>>
    %dma_wait3A_18 = arith.constant 0 : i32
    %dma_wait3A_19 = tpu.memref_slice %arg6[%add3A_15, %dma_wait3A_18] : memref<1000000x3xf32, #tpu.memory_space<hbm>> -> memref<1250x3xf32, #tpu.memory_space<hbm>>
    %dma_wait3A_20 = arith.constant 0 : i32
    %dma_wait3A_21 = tpu.memref_slice %arg6[%add3A_15, %dma_wait3A_20] : memref<1000000x3xf32, #tpu.memory_space<hbm>> -> memref<1250x3xf32, #tpu.memory_space<hbm>>
    %dma_wait3A_22 = arith.constant 0 : i32
    %dma_wait3A_23 = arith.constant 0 : i32
    %dma_wait3A_24 = tpu.memref_slice %arg11[%dma_wait3A_22, %dma_wait3A_23] : memref<1264x3xf32, #tpu.memory_space<vmem>> -> memref<1250x3xf32, #tpu.memory_space<vmem>>
    tpu.wait_dma2 semaphore(%arg13 : memref<!tpu.dma_semaphore, #tpu.memory_space<semaphore_mem>>) src(%dma_wait3A_24 : memref<1250x3xf32, #tpu.memory_space<vmem>>) dst(%dma_wait3A_21 : memref<1250x3xf32, #tpu.memory_space<hbm>>)
    return
  }
}

</mosaic_0001>

<sc_bundles>
// kernel: kernel.4.cloned.1.call-start
scs
__scs_entry_jumppad:
0x0: {  	(pc) =	sbr.rel $0x88, $3  }
0x1: {  	(tag) =	ssettag $0x0;
	lr =	simm.s32 $0x1  }
0x2: {  	[smem:$0x3F9C] =	sst lr;
	_ =	strace $0xD0000000  }
0x3: {  	_ = 	snop  }
0x4: {  	_ = 	snop  }
0x5: {  	_ = 	snop  }
0x6: {  	_ = 	snop  }
0x7: {  	_ = 	snop  }
__scs_overlays_trampoline_lowered:
0x8: {  	[smem:$0x3FAB] =	sst s0  }
0x9: {  	[smem:$0x3FAC] =	sst s1  }
0xa: {  	[smem:$0x3FAD] =	sst s2  }
0xb: {  	[smem:$0x3FAE] =	sst s3  }
0xc: {  	[smem:$0x3FAF] =	sst s4  }
0xd: {  	[smem:$0x3FB0] =	sst s5  }
0xe: {  	[smem:$0x3FB1] =	sst s6  }
0xf: {  	[smem:$0x3FB2] =	sst s7  }
0x10: {  	[smem:$0x3FB3] =	sst s8  }
0x11: {  	[smem:$0x3FB4] =	sst s9;
	s0 =	simm.s32 @!p0 $0x0  }
0x12: {  	s1 =	sld [smem:$0x3F9A];
	s0 =	simm.s32 @p0 $0x1  }
0x13: {  	[smem:$0x3FB5] =	sst s0;
	s0 =	simm.s32 @!p1 $0x0  }
0x14: {  	s2 =	sld [smem:$0x3F99];
	s0 =	simm.s32 @p1 $0x1  }
0x15: {  	[smem:$0x3FB6] =	sst s0;
	s0 =	simm.s32 @!p2 $0x0  }
0x16: {  	s3 =	sld [smem:$0x3FDB];
	s0 =	simm.s32 @p2 $0x1  }
0x17: {  	s4 =	simm.s32 $0x1BF5;
	[smem:$0x3FB8] =	sst s0  }
0x18: {  	s0 =	sld [smem:$0x3F9B];
	_ =	swait.ge [sflag:s4], $0x0  }
0x19: {  	s7 =	sld [smem:$0x3F9C]  }
0x1a: {  	s8 =	sadd.s32 $0xFFFFE003, lr  }
0x1b: {  	s9 =	sadd.s32 $0xFFFFFEF7, lr;
	s5 =	simm.s32 $0xFFFFFFFF;
	p2 =	slt.u32 s8, $0xFFFFF086  }
0x1c: {  	p1 =	slt.u32 s9, $0xF7A;
	s5 =	simm.s32 @!p2 $0x0  }
0x1d: {  	s5 =	simm.s32 @p1 $0x1;
	p0 =	seq.s32 s7, s2  }
0x1e: {  	s7 =	smul.u32 @!p0 $0xF7A, s2;
	p2 =	seq.s32 @!p0 s5, $0x0  }
0x1f: {  	s9 =	smul.u32 $0xF7A, s1;
	s8 =	simm.s32 @!p0 $0x1BF5;
	p2 =	por !p2, p0  }
0x20: {  	[sflag:s8] =	ssyncset.s32 @!p0 $0xFFFFF086;
	s6 =	sadd.s32 @!p0 s3, s7;
	s7 =	simm.s32 @!p0 $0x108  }
0x21: {  	s3 =	sadd.s32 s3, s9;
	s6 =	sadd.s32 @!p0 $0x88, s6;
	s7 =	simm.s32 @p2 $0x1082  }
0x22: {  	[simem:s7], [sflag:s8] =	dma.local @!p0 [hbm:s6], $0xF7A  }
0x23: {  	s9 =	sor.u32 $0xD0000000, s2;
	s6 =	simm.s32 $0x108;
	_ =	swait.ge @!p0 [sflag:s8], $0x0  }
0x24: {  	s3 =	sadd.s32 $0x88, s3;
	s6 =	simm.s32 @!p1 $0x1082;
	[sflag:s4] =	ssyncset.s32 $0xFFFFF086  }
0x25: {  	[simem:s6], [sflag:s4] =	dma.local [hbm:s3], $0xF7A  }
0x26: {  	[smem:$0x3F9C] =	sst s1;
	(tag) =	ssettag s2;
	_ =	strace s9  }
0x27: {  	s1 =	sld [smem:$0x3FAC]  }
0x28: {  	s2 =	sld [smem:$0x3FAD]  }
0x29: {  	s4 =	sld [smem:$0x3FAF]  }
0x2a: {  	p0 =	seq.s32 s5, $0x0;
	s5 =	sld [smem:$0x3FB0]  }
0x2b: {  	s6 =	sld [smem:$0x3FB1]  }
0x2c: {  	s7 =	sld [smem:$0x3FB2]  }
0x2d: {  	s3 =	simm.s32 $0x108;
	s8 =	sld [smem:$0x3FB3]  }
0x2e: {  	s3 =	simm.s32 @!p0 $0x1082;
	s9 =	sld [smem:$0x3FB4]  }
0x2f: {  	lr =	sadd.s32 s0, s3;
	s0 =	sld [smem:$0x3FAB]  }
0x30: {  	s3 =	sld [smem:$0x3FAE]  }
0x31: {  	[smem:$0x3FB7] =	sst s10  }
0x32: {  	s10 =	sld [smem:$0x3FB5];
	_ =	sdelay $0x3  }
0x33: {  	p0 =	seq.s32 s10, $0x1;
	s10 =	sld [smem:$0x3FB7];
	_ =	sdelay $0x3  }
0x34: {  	[smem:$0x3FB7] =	sst s10  }
0x35: {  	s10 =	sld [smem:$0x3FB6];
	_ =	sdelay $0x3  }
0x36: {  	p1 =	seq.s32 s10, $0x1;
	s10 =	sld [smem:$0x3FB7];
	_ =	sdelay $0x3  }
0x37: {  	[smem:$0x3FB7] =	sst s10  }
0x38: {  	s10 =	sld [smem:$0x3FB8]  }
0x39: {  	_ = 	snop;
	(pc) =	sbr.ind lr, $3  }
0x3a: {  	_ = 	snop  }
0x3b: {  	_ = 	snop  }
0x3c: {  	p2 =	seq.s32 s10, $0x1;
	s10 =	sld [smem:$0x3FB7]  }
0x3d: {  	_ =	shalt  }
0x3e: {  	_ =	shalt  }
0x3f: {  	_ =	shalt  }
0x40: {  	_ =	shalt  }
0x41: {  	_ =	shalt  }
0x42: {  	_ =	shalt  }
0x43: {  	_ =	shalt  }
0x44: {  	_ =	shalt  }
0x45: {  	_ =	shalt  }
0x46: {  	_ =	shalt  }
0x47: {  	_ =	shalt  }
0x48: {  	_ =	shalt  }
0x49: {  	_ =	shalt  }
0x4a: {  	_ =	shalt  }
0x4b: {  	_ =	shalt  }
0x4c: {  	_ =	shalt  }
0x4d: {  	_ =	shalt  }
0x4e: {  	_ =	shalt  }
0x4f: {  	_ =	shalt  }
0x50: {  	_ =	shalt  }
0x51: {  	_ =	shalt  }
0x52: {  	_ =	shalt  }
0x53: {  	_ =	shalt  }
0x54: {  	_ =	shalt  }
0x55: {  	_ =	shalt  }
0x56: {  	_ =	shalt  }
0x57: {  	_ =	shalt  }
0x58: {  	_ =	shalt  }
0x59: {  	_ =	shalt  }
0x5a: {  	_ =	shalt  }
0x5b: {  	_ =	shalt  }
0x5c: {  	_ =	shalt  }
0x5d: {  	_ =	shalt  }
0x5e: {  	_ =	shalt  }
0x5f: {  	_ =	shalt  }
0x60: {  	_ =	shalt  }
0x61: {  	_ =	shalt  }
0x62: {  	_ =	shalt  }
0x63: {  	_ =	shalt  }
0x64: {  	_ =	shalt  }
0x65: {  	_ =	shalt  }
0x66: {  	_ =	shalt  }
0x67: {  	_ =	shalt  }
0x68: {  	_ =	shalt  }
0x69: {  	_ =	shalt  }
0x6a: {  	_ =	shalt  }
0x6b: {  	_ =	shalt  }
0x6c: {  	_ =	shalt  }
0x6d: {  	_ =	shalt  }
0x6e: {  	_ =	shalt  }
0x6f: {  	_ =	shalt  }
0x70: {  	_ =	shalt  }
0x71: {  	_ =	shalt  }
0x72: {  	_ =	shalt  }
0x73: {  	_ =	shalt  }
0x74: {  	_ =	shalt  }
0x75: {  	_ =	shalt  }
0x76: {  	_ =	shalt  }
0x77: {  	_ =	shalt  }
0x78: {  	_ =	shalt  }
0x79: {  	_ =	shalt  }
0x7a: {  	_ =	shalt  }
0x7b: {  	_ =	shalt  }
0x7c: {  	_ =	shalt  }
0x7d: {  	_ =	shalt  }
0x7e: {  	_ =	shalt  }
0x7f: {  	_ =	shalt  }
0x80: {  	_ =	shalt  }
0x81: {  	_ =	shalt  }
0x82: {  	_ =	shalt  }
0x83: {  	_ =	shalt  }
0x84: {  	_ =	shalt  }
0x85: {  	_ =	shalt  }
0x86: {  	_ =	shalt  }
0x87: {  	_ =	shalt  }
.Lfunc_end0:
.L_simem_size_0:
called_computation.1_lowered:
.L_overlay_start_0:
0x88: {  	s2 =	sld [smem:$0x3FD9]  }
0x89: {  	s3 =	sld [smem:$0x3FFE];
	_ =	sdelay $0x1  }
0x8a: {  	s1 =	srdreg.scid  }
0x8b: {  	s0 =	sand.u32 $0x1, s1  }
0x8c: {  	s17 =	sshll.u32 s0, $0xA;
	s2 =	sadd.s32 s3, s2  }
0x8d: {  	s2 =	sadd.s32 s2, s17  }
0x8e: {  	[smem:$0x3FC3] =	sst s2  }
0x8f: {  	_ = 	snop  }
0x90: {  	s18 =	sld [smem:$0x3FC5]  }
0x91: {  	s4 =	sld [smem:$0x3FD0];
	(tm) =	ssettm $0x1  }
0x92: {  	s19 =	sld [smem:$0x3FFB];
	_ =	sdelay $0x3  }
0x93: {  	_ =	strace s19  }
0x94: {  	s2 =	sld [smem:$0x3FFC];
	_ =	sdelay $0x3  }
0x95: {  	_ =	strace s2  }
0x96: {  	s2 =	sld [smem:$0x3FFD];
	_ =	sdelay $0x3  }
0x97: {  	_ =	strace s2  }
0x98: {  	_ =	strace $0x8FFFFFFF  }
0x99: {  	s20 =	sld [smem:$0x3FDB];
	_ =	sdelay $0x1  }
0x9a: {  	s5 =	simm.s32 $_scs_section_size  }
0x9b: {  	s6 =	simm.s32 $_size__tile_overlayer_lowered;
	s7 =	simm.s32 $_tile_overlayer_lowered  }
0x9c: {  	s8 =	simm.s32 $0x1BFF;
	s21 =	sshll.u32 s7, $0x1;
	s5 =	sadd.s32 s5, s20  }
0x9d: {  	s22 =	simm.s32 $0x0;
	s6 =	sshll.u32 s6, $0x1;
	s7 =	sadd.s32 s21, s5  }
0x9e: {  	[timem:s22], [sflag:s8] =	dma.local [hbm:s7], s6  }
0x9f: {  	_ =	swait.ge [sflag:s8], s6  }
0xa0: {  	s6 =	ssub.s32 $0x0, s6;
	[sflag:s8] =	ssyncset.done $0x0  }
0xa1: {  	[sflag:s8] =	ssyncadd.s32 s6;
	_ =	sdelay $0x1  }
0xa2: {  	s23 =	simm.s32 $0x1B8B  }
0xa3: {  	_ =	swait.ge [sflag:s23], $0x1  }
0xa4: {  	[sflag:s23] =	ssyncset.done $0x0  }
0xa5: {  	[sflag:s23] =	ssyncadd.s32 $0xFFFFFFFF  }
0xa6: {  	s6 =	sld [smem:$0x0]  }
0xa7: {  	s7 =	sand.u32 $0xFFFFFFFE, s1  }
0xa8: {  	p0 =	sne.s32 s1, s7  }
0xa9: {  	s7 =	sshll.u32 @p0 s7, $0xE  }
0xaa: {  	s7 =	sadd.s32 @p0 $0x11B8D, s7;
	s8 =	sshll.u32 @p0 s6, $0x11  }
0xab: {  	s7 =	sor.u32 @p0 s8, s7  }
0xac: {  	[sflag:s7] =	ssyncadd.remote.s32 @p0 $0x1;
	_ =	sdelay $0x1  }
0xad: {  	s7 =	simm.s32 @p0 $0x1B8D  }
0xae: {  	_ =	swait.eq @p0 [sflag:s7], $0x1  }
0xaf: {  	[sflag:s7] =	ssyncadd.s32 @p0 $0xFFFFFFFF  }
0xb0: {  	s8 =	sshll.u32 @!p0 s1, $0xE  }
0xb1: {  	s8 =	sor.u32 @!p0 $0x4000, s8;
	s7 =	simm.s32 @!p0 $0x1B8D  }
0xb2: {  	s6 =	sshll.u32 @!p0 s6, $0x11;
	s8 =	sadd.s32 @!p0 $0x11B8D, s8;
	_ =	swait.eq @!p0 [sflag:s7], $0x1  }
0xb3: {  	s6 =	sor.u32 @!p0 s6, s8;
	[sflag:s7] =	ssyncadd.s32 @!p0 $0xFFFFFFFF  }
0xb4: {  	s25 =	simm.s32 $0x1B8E;
	s24 =	sld [smem:$0x3FFE];
	[sflag:s6] =	ssyncadd.remote.s32 @!p0 $0x1  }
0xb5: {  	s26 =	simm.s32 $execute0_lowered;
	[smem:$0x3FD2] =	sst s25  }
0xb6: {  	s7 =	sshll.u32 s26, $0x1;
	_ =	strace $0x80000049;
	[dreg:$0x1] =	wrdreg $0xFFFFFFFF  }
0xb7: {  	s28 =	simm.s32 $_size_execute0_lowered;
	s5 =	sadd.s32 s5, s7;
	[dreg:$0x0] =	wrdreg $0x0  }
0xb8: {  	s7 =	sshll.u32 s28, $0x1;
	[dreg:$0x2] =	wrdreg s5  }
0xb9: {  	[dreg:$0x3] =	wrdreg s7  }
0xba: {  	[dreg:$0x4] =	wrdreg $0xC0  }
0xbb: {  	_ =	task [dreg:s22], $0x5FFFF  }
0xbc: {  	[dreg:$0x1] =	wrdreg $0xFFFFFFFF  }
0xbd: {  	[dreg:$0x0] =	wrdreg $0x60  }
0xbe: {  	[dreg:$0x2] =	wrdreg s4  }
0xbf: {  	[dreg:$0x3] =	wrdreg s18  }
0xc0: {  	[dreg:$0x4] =	wrdreg s24  }
0xc1: {  	[dreg:$0x5] =	wrdreg $0xA4000  }
0xc2: {  	[dreg:$0x6] =	wrdreg $0xA  }
0xc3: {  	_ =	task.clear_ibuf [dreg:s22], $0x7FFFF;
	_ =	strace $0x90000049  }
0xc4: {  	s29 =	simm.s32 $0xA;
	_ =	strace $0x8000004B  }
0xc5: {  	_ =	swait.ge [sflag:s29], $0x1  }
0xc6: {  	[sflag:s29] =	ssyncadd.s32 $0xFFFFFFFF  }
0xc7: {  	_ =	strace $0x9000004B  }
0xc8: {  	_ =	sfence  }
0xc9: {  	s30 =	sld [smem:$0x0];
	_ =	sdelay $0x2  }
0xca: {  	s31 =	sshll.u32 s1, $0xD;
	s1 =	sshrl.u32 s1, $0x2  }
0xcb: {  	s4 =	sand.u32 $0x4000, s31;
	s1 =	sadd.s32 s1, s30  }
0xcc: {  	s0 =	sor.u32 s4, s0;
	s1 =	sshll.u32 s1, $0x11  }
0xcd: {  	s0 =	sor.u32 s1, s0  }
0xce: {  	s0 =	sadd.s32 $0x8F2B, s0  }
0xcf: {  	[sflag:s0] =	ssyncadd.remote.s32 $0x1  }
0xd0: {  	_ =	sfence.sel $0xFFFF  }
0xd1: {  	[dreg:$0x0] =	wrdreg $0xFFFFFFFF;
	(pc) =	sbr.abs _section_cstart, $3  }
0xd2: {  	[dreg:$0x1] =	wrdreg $0xFFFFFFFF  }
0xd3: {  	_ =	task.clear_ibuf [dreg:s22], $0x2FFFF;
	_ =	strace $0x9FFFFFFF  }
0xd4: {  	(tm) =	ssettm $0x7FFFFFFF  }
0xd5: {  	_ =	shalt  }
tec
execute0_lowered:
.L_overlay_start_1:
0x0: {  	(tag) =	ssettag $0x1  }
0x1: {  	s0 =	rddreg [dreg:$0x0]  }
0x2: {  	s4 =	rddreg [dreg:$0x1]  }
0x3: {  	s5 =	rddreg [dreg:$0x2]  }
0x4: {  	s1 =	rddreg [dreg:$0x3];
	s3 =	simm.s32 $0x0;
	s6 =	srdreg.scid  }
0x5: {  	s2 =	stileid.u32;
	s13 =	simm.s32 $0x2000;
	s15 =	simm.s32 $0x1  }
0x6: {  	s16 =	simm.s32 $0x8000;
	s17 =	simm.s32 $0x8800;
	s18 =	simm.s32 $0x80  }
0x7: {  	s12 =	simm.s32 $0x8480;
	s11 =	simm.s32 $0x8D80;
	s14 =	simm.s32 $0x8580  }
0x8: {  	s19 =	simm.s32 $0x8E00;
	s20 =	simm.s32 $0x8600;
	s21 =	simm.s32 $0x8E80  }
0x9: {  	s22 =	simm.s32 $0x8680;
	s23 =	simm.s32 $0x8F00;
	s24 =	simm.s32 $0x8700  }
0xa: {  	s28 =	simm.s32 $0x0;
	[smem:$0x7FF] =	sst s3;
	s7 =	smul.u32 $0xC00, s2  }
0xb: {  	s6 =	sand.u32 $0x1, s6;
	s5 =	sadd.s32 $0x1200, s5;
	s26 =	smul.u32 $0x2800, s2  }
0xc: {  	s9 =	sshll.u32 s2, $0xA;
	s30 =	sadd.s32 $0xF3C00, s1;
	s31 =	smul.u32 $0xA00, s2  }
0xd: {  	p0 =	sne.s32 s2, $0x7;
	_ =	strace $0x8000004A;
	[dreg:$0x5] =	wrdreg s5  }
0xe: {  	s25 =	ssub.s32 $0x2, s6;
	s10 =	smul.u32 $0x7A120, s6;
	s4 =	sadd.s32 s4, s9  }
0xf: {  	s29 =	smul.u32 $0x1E8480, s6;
	[dreg:$0x9] =	wrdreg s30;
	s6 =	simm.s32 $0x9000  }
0x10: {  	s9 =	simm.s32 $0x8500;
	s8 =	sshrl.u32 s25, $0x1;
	[dreg:$0x7] =	wrdreg s4  }
0x11: {  	s0 =	sadd.s32 s0, s7;
	s4 =	sshrl.u32 s26, $0x2;
	[dreg:$0x6] =	wrdreg s10  }
0x12: {  	s26 =	simm.s32 $0x8780;
	s5 =	ssub.s32 s25, s8;
	[dreg:$0x8] =	wrdreg s0  }
0x13: {  	s8 =	ssub.s32 $0x186, s2;
	s25 =	sor.u32 $0x3D090, s2;
	s0 =	sadd.s32 s31, s29  }
0x14: {  	s7 =	sadd.s32 s4, s1;
	s10 =	simm.s32 $0x8400;
	[dreg:$0xc] =	wrdreg s0  }
0x15: {  	v0 =	vlaneseq.u32;
	s4 =	simm.s32 $0x8D00;
	s5 =	smax.u32 s5, $0x1;
	[dreg:$0xb] =	wrdreg s7  }
0x16: {  	v2 =	vimm.f32 $0.0e+00;
	v3 =	vmul.u32 $0x4, v0;
	v1 =	vmov s25;
	s25 =	simm.s32 $0x8F80;
	[dreg:$0xa] =	wrdreg s5;
	s5 =	simm.s32 $0x8C80  }
.LBB2_1:
0x17: {  	[dreg:$0xd] =	wrdreg s28  }
0x18: {  	s0 =	rddreg [dreg:$0x7]  }
0x19: {  	[tilespmem:s3], [sflag:$0x1] =	stream.linear.gather [hbm4b:s0+s3], $0x2000, $0x38;
	[tilespmem:$0x19828] =	vst v63  }
0x1a: {  	s31 =	rddreg [dreg:$0x8];
	s28 =	simm.s32 $0x10  }
0x1b: {  	v4 =	vor.u32 s3, v0;
	[tilespmem:s13], [sflag:$0x1] =	stream.linear.gather [hbm4b:s31+s3], $0x6000, $0x38;
	[tilespmem:$0x19828] =	vst v63  }
.LBB2_2:
0x1c: {  	p1 =	sne.s32 s28, $0x9F0  }
.Ltmp0:
0x1d: {  	_ = 	snop;
	(pc) =	sbr.rel @p1 .LBB2_2-.Ltmp0, $3  }
0x1e: {  	_ =	sdelay $0x1  }
0x1f: {  	[tilespmem:v4+s6+$0x0] =	vst.idx.msk $0xffff, v2;
	s29 =	smov.u32 s28;
	s28 =	sadd.s32 $0x10, s28  }
0x20: {  	v4 =	vor.u32 s29, v0  }
0x21: {  	_ =	sdelay $0x3  }
0x22: {  	[tilespmem:v4+s6+$0x0] =	vst.idx.msk $0xffff, v2  }
0x23: {  	_ =	swait.ge [sflag:s15], $0x2000  }
0x24: {  	[sflag:s15] =	ssyncset.done $0x0  }
0x25: {  	[sflag:s15] =	ssyncadd.s32 $0xFFFFE000  }
0x26: {  	_ =	swait.ge [sflag:s15], $0x6000  }
0x27: {  	s0 =	simm.s32 $0x0;
	[sflag:s15] =	ssyncset.done $0x0  }
0x28: {  	p3 =	por $0x1, $0x1;
	[dreg:$0xe] =	wrdreg s0;
	[sflag:s15] =	ssyncadd.s32 $0xFFFFA000  }
.LBB2_4:
0x29: {  	s28 =	sadd.s32 $0x0, s2  }
0x2a: {  	p1 =	por p3, p3;
	s29 =	sadd.s32 $0xA000, s7;
	p2 =	sgt.u32 s28, $0x185  }
0x2b: {  	s30 =	smov.u32 s7;
	s28 =	simm.s32 $0x10;
	s31 =	simm.s32 @!p2 $0x9000  }
.LBB2_5:
0x2c: {  	[spmem:s30] =	stream.linear.scatter @!p2 [tilespmem:s31], [sflag:$0x1], $0xA00, $0x38;
	[tilespmem:$0x19828] =	vst v63  }
0x2d: {  	s31 =	smov.u32 s28;
	s28 =	sadd.s32 $0x10, s28  }
0x2e: {  	p3 =	sne.s32 s28, $0x190  }
.Ltmp1:
0x2f: {  	(pc) =	sbr.rel @p3 .LBB2_5-.Ltmp1, $4  }
0x30: {  	s30 =	smov.u32 s29  }
0x31: {  	s31 =	sadd.s32 s31, s2  }
0x32: {  	p2 =	sgt.u32 s31, $0x185  }
0x33: {  	s29 =	sadd.s32 $0xA000, s29;
	s31 =	simm.s32 @!p2 $0x9000  }
0x34: {  	[spmem:s30] =	stream.linear.scatter @!p2 [tilespmem:s31], [sflag:$0x1], $0xA00, $0x38;
	[tilespmem:$0x19828] =	vst v63  }
0x35: {  	p2 =	sle.u32 s8, $0x0  }
0x36: {  	s29 =	simm.s32 @!p2 $0x1  }
0x37: {  	_ =	swait.ge @!p2 [sflag:s29], $0xA00  }
0x38: {  	s28 =	simm.s32 $0x10;
	s6 =	simm.s32 $0x8880;
	[sflag:s29] =	ssyncset.done @!p2 $0x0  }
.LBB2_7:
0x39: {  	[sflag:s29] =	ssyncadd.s32 @!p2 $0xFFFFF600;
	s29 =	smov.u32 s28;
	s28 =	sadd.s32 $0x10, s28  }
0x3a: {  	p3 =	sne.s32 s28, $0x190  }
.Ltmp2:
0x3b: {  	(pc) =	sbr.rel @p3 .LBB2_7-.Ltmp2, $4  }
0x3c: {  	p2 =	sge.u32 s29, s8  }
0x3d: {  	s29 =	simm.s32 @!p2 $0x1  }
0x3e: {  	_ =	swait.ge @!p2 [sflag:s29], $0xA00  }
0x3f: {  	[sflag:s29] =	ssyncset.done @!p2 $0x0  }
0x40: {  	[sflag:s29] =	ssyncadd.s32 @!p2 $0xFFFFF600;
	s28 =	simm.s32 @!p0 $0x9000;
	s0 =	rddreg [dreg:$0x9]  }
0x41: {  	[spmem:s0] =	stream.linear.scatter @!p0 [tilespmem:s28], [sflag:$0x3], $0x640, $0x38;
	[tilespmem:$0x19828] =	vst v63  }
0x42: {  	s28 =	simm.s32 @!p0 $0x3  }
0x43: {  	_ =	swait.ge @!p0 [sflag:s28], $0x640  }
0x44: {  	[sflag:s28] =	ssyncset.done @!p0 $0x0;
	s31 =	rddreg [dreg:$0x6]  }
0x45: {  	s29 =	rddreg [dreg:$0xe];
	[sflag:s28] =	ssyncadd.s32 @!p0 $0xFFFFF9C0  }
0x46: {  	s0 =	sadd.s32 s31, s29;
	[bflag:$0x0] =	sbarrier.arrive $0xFFFF  }
0x47: {  	s28 =	simm.s32 $0x0;
	s29 =	simm.s32 $0x0;
	v4 =	vmov s0;
	[dreg:$0xf] =	wrdreg s0  }
.LBB2_9:
0x48: {  	s30 =	sshll.u32 s29, $0x9  }
0x49: {  	v5 =	vor.u32 s30, v0  }
0x4a: {  	v6 =	vor.u32 s28, v5  }
0x4b: {  	v7 =	vmul.u32 $0x3, v6;
	_ =	sdelay $0x1  }
0x4c: {  	v8 =	vadd.s32 $0x1, v7;
	_ =	sdelay $0x1  }
0x4d: {  	v9 =	vadd.s32 $0x2, v7;
	_ =	sdelay $0x1  }
0x4e: {  	v7 =	vld.idx.msk [tilespmem:v7+s13+$0x0], $0xffff  }
0x4f: {  	v8 =	vld.idx.msk [tilespmem:v8+s13+$0x0], $0xffff;
	_ =	sdelay $0x1  }
0x50: {  	v9 =	vld.idx.msk [tilespmem:v9+s13+$0x0], $0xffff;
	_ =	sdelay $0x2  }
0x51: {  	v10 =	vmul.f32 v7, v7;
	v11 =	vmul.f32 v8, v8;
	_ =	sdelay $0x1  }
0x52: {  	v10 =	vadd.f32 v11, v10;
	v11 =	vmul.f32 v9, v9;
	_ =	sdelay $0x1  }
0x53: {  	v10 =	vadd.f32 v11, v10;
	_ =	sdelay $0x1  }
0x54: {  	v10 =	vadd.f32 $9.999999960e-13, v10;
	_ =	sdelay $0x1  }
0x55: {  	v11 =	vshra.s32 v10, $0x1;
	v12 =	vmul.f32 $5.000000000e-01, v10  }
0x56: {  	v11 =	vsub.s32 $0x5F3759DF, v11  }
0x57: {  	v13 =	vmul.f32 v11, v12;
	_ =	sdelay $0x1  }
0x58: {  	v13 =	vmul.f32 v11, v13;
	_ =	sdelay $0x1  }
0x59: {  	v13 =	vsub.f32 $1.500000000e+00, v13;
	_ =	sdelay $0x1  }
0x5a: {  	v11 =	vmul.f32 v11, v13;
	_ =	sdelay $0x1  }
0x5b: {  	v13 =	vmul.f32 v11, v12;
	_ =	sdelay $0x1  }
0x5c: {  	v13 =	vmul.f32 v13, v11;
	_ =	sdelay $0x1  }
0x5d: {  	v13 =	vsub.f32 $1.500000000e+00, v13;
	_ =	sdelay $0x1  }
0x5e: {  	v11 =	vmul.f32 v13, v11;
	_ =	sdelay $0x1  }
0x5f: {  	v62 =	vmov s28;
	v12 =	vmul.f32 v11, v12  }
0x60: {  	v6 =	vld.idx.msk [tilespmem:v6+s3+$0x0], $0xffff;
	v13 =	vshll.u32 v62, $0x2  }
0x61: {  	v13 =	vor.u32 v3, v13;
	v12 =	vmul.f32 v12, v11  }
0x62: {  	v14 =	vor.u32 $0x1, v13  }
0x63: {  	v15 =	vor.u32 $0x2, v13;
	v12 =	vsub.f32 $1.500000000e+00, v12  }
0x64: {  	v16 =	vmul.f32 $9.999999770e-03, v7;
	v7 =	vor.u32 $0x3, v13  }
0x65: {  	v6 =	vsub.s32 v6, v4;
	v8 =	vmul.f32 $9.999999770e-03, v8;
	v11 =	vmul.f32 v12, v11  }
0x66: {  	s30 =	simm.s32 $0x10;
	vm0 =	vlt.u32 v6, $0x3D090;
	v9 =	vmul.f32 $9.999999770e-03, v9;
	[tilespmem:v13+s16+$0x0] =	vst.idx.msk $0xffff, v16  }
0x67: {  	[tilespmem:v14+s16+$0x0] =	vst.idx.msk $0xffff, v8;
	v8 =	vsel vm0, v6, v1;
	v6 =	vor.u32 s30, v5;
	v10 =	vmul.f32 v11, v10  }
0x68: {  	[tilespmem:v15+s16+$0x0] =	vst.idx.msk $0xffff, v9;
	v11 =	vshll.u32 v8, $0x2;
	v8 =	vmul.u32 $0x3, v6  }
0x69: {  	[tilespmem:v7+s16+$0x0] =	vst.idx.msk $0xffff, v10  }
0x6a: {  	v9 =	vor.u32 $0x1, v11;
	v10 =	vadd.s32 $0x1, v8;
	[tilespmem:v13+s17+$0x0] =	vst.idx.msk $0xffff, v11  }
0x6b: {  	v63 =	vor.u32 $0x2, v11;
	[tilespmem:v14+s17+$0x0] =	vst.idx.msk $0xffff, v9  }
0x6c: {  	s31 =	simm.s32 $0x20;
	v11 =	vor.u32 $0x3, v11;
	v9 =	vadd.s32 $0x2, v8;
	[tilespmem:v15+s17+$0x0] =	vst.idx.msk $0xffff, v63  }
.LBB2_10:
0x6d: {  	p2 =	sne.s32 s31, $0x1F0;
	[tilespmem:v7+s17+$0x0] =	vst.idx.msk $0xffff, v11;
	s0 =	smov.u32 s31;
	s31 =	sadd.s32 $0x10, s31  }
0x6e: {  	v7 =	vld.idx.msk [tilespmem:v8+s13+$0x0], $0xffff  }
0x6f: {  	v8 =	vld.idx.msk [tilespmem:v10+s13+$0x0], $0xffff;
	_ =	sdelay $0x1  }
0x70: {  	v9 =	vld.idx.msk [tilespmem:v9+s13+$0x0], $0xffff;
	_ =	sdelay $0x2  }
0x71: {  	v10 =	vmul.f32 $9.999999770e-03, v7  }
0x72: {  	v7 =	vmul.f32 v7, v7;
	v11 =	vmul.f32 v8, v8  }
0x73: {  	v8 =	vmul.f32 $9.999999770e-03, v8  }
0x74: {  	v7 =	vadd.f32 v11, v7;
	v11 =	vmul.f32 v9, v9;
	v9 =	vmul.f32 $9.999999770e-03, v9;
	_ =	sdelay $0x1  }
0x75: {  	v7 =	vadd.f32 v11, v7;
	_ =	sdelay $0x1  }
0x76: {  	v11 =	vadd.f32 $9.999999960e-13, v7;
	_ =	sdelay $0x1  }
0x77: {  	v7 =	vshra.s32 v11, $0x1;
	v12 =	vmul.f32 $5.000000000e-01, v11  }
0x78: {  	v7 =	vsub.s32 $0x5F3759DF, v7  }
0x79: {  	v13 =	vmul.f32 v7, v12;
	_ =	sdelay $0x1  }
0x7a: {  	v13 =	vmul.f32 v7, v13;
	_ =	sdelay $0x1  }
0x7b: {  	v13 =	vsub.f32 $1.500000000e+00, v13;
	_ =	sdelay $0x1  }
0x7c: {  	v7 =	vmul.f32 v7, v13;
	_ =	sdelay $0x1  }
0x7d: {  	v13 =	vmul.f32 v7, v12;
	_ =	sdelay $0x1  }
0x7e: {  	v13 =	vmul.f32 v13, v7;
	_ =	sdelay $0x1  }
0x7f: {  	v13 =	vsub.f32 $1.500000000e+00, v13;
	_ =	sdelay $0x1  }
0x80: {  	v13 =	vmul.f32 v13, v7;
	_ =	sdelay $0x1  }
0x81: {  	v7 =	vmov s30;
	s30 =	smov.u32 s0;
	v12 =	vmul.f32 v13, v12  }
0x82: {  	v7 =	vshll.u32 v7, $0x2;
	v6 =	vld.idx.msk [tilespmem:v6+s3+$0x0], $0xffff  }
0x83: {  	v14 =	vor.u32 v3, v7;
	v12 =	vmul.f32 v12, v13  }
0x84: {  	v15 =	vor.u32 $0x1, v14  }
0x85: {  	v16 =	vor.u32 $0x2, v14;
	v12 =	vsub.f32 $1.500000000e+00, v12  }
0x86: {  	v7 =	vor.u32 $0x3, v14  }
0x87: {  	v12 =	vmul.f32 v12, v13  }
0x88: {  	[tilespmem:v14+s16+$0x0] =	vst.idx.msk $0xffff, v10;
	v10 =	vsub.s32 v6, v4  }
0x89: {  	v6 =	vor.u32 s30, v5;
	v11 =	vmul.f32 v12, v11;
	[tilespmem:v15+s16+$0x0] =	vst.idx.msk $0xffff, v8;
	vm0 =	vlt.u32 v10, $0x3D090  }
.Ltmp3:
0x8a: {  	v8 =	vmul.u32 $0x3, v6;
	[tilespmem:v16+s16+$0x0] =	vst.idx.msk $0xffff, v9;
	v9 =	vsel vm0, v10, v1;
	(pc) =	sbr.rel @p2 .LBB2_10-.Ltmp3, $4  }
0x8b: {  	[tilespmem:v7+s16+$0x0] =	vst.idx.msk $0xffff, v11;
	v11 =	vshll.u32 v9, $0x2  }
0x8c: {  	v10 =	vadd.s32 $0x1, v8;
	v9 =	vadd.s32 $0x2, v8;
	[tilespmem:v14+s17+$0x0] =	vst.idx.msk $0xffff, v11;
	v12 =	vor.u32 $0x1, v11  }
0x8d: {  	[tilespmem:v15+s17+$0x0] =	vst.idx.msk $0xffff, v12;
	v12 =	vor.u32 $0x2, v11  }
0x8e: {  	v11 =	vor.u32 $0x3, v11;
	[tilespmem:v16+s17+$0x0] =	vst.idx.msk $0xffff, v12  }
0x8f: {  	_ =	sdelay $0x3  }
0x90: {  	[tilespmem:v7+s17+$0x0] =	vst.idx.msk $0xffff, v11  }
0x91: {  	v5 =	vld.idx.msk [tilespmem:v8+s13+$0x0], $0xffff  }
0x92: {  	v7 =	vld.idx.msk [tilespmem:v10+s13+$0x0], $0xffff;
	_ =	sdelay $0x1  }
0x93: {  	v58 =	vld.idx.msk [tilespmem:v9+s13+$0x0], $0xffff;
	_ =	sdelay $0x2  }
0x94: {  	v59 =	vmul.f32 v5, v5;
	v10 =	vmul.f32 v7, v7;
	_ =	sdelay $0x1  }
0x95: {  	v60 =	vmul.f32 v58, v58;
	v9 =	vadd.f32 v10, v59;
	_ =	sdelay $0x1  }
0x96: {  	v9 =	vadd.f32 v60, v9;
	_ =	sdelay $0x1  }
0x97: {  	v9 =	vadd.f32 $9.999999960e-13, v9;
	_ =	sdelay $0x1  }
0x98: {  	v61 =	vshra.s32 v9, $0x1;
	v62 =	vmul.f32 $5.000000000e-01, v9  }
0x99: {  	v10 =	vsub.s32 $0x5F3759DF, v61  }
0x9a: {  	v12 =	vmul.f32 v10, v62;
	_ =	sdelay $0x1  }
0x9b: {  	v12 =	vmul.f32 v10, v12;
	_ =	sdelay $0x1  }
0x9c: {  	v12 =	vsub.f32 $1.500000000e+00, v12;
	_ =	sdelay $0x1  }
0x9d: {  	v10 =	vmul.f32 v10, v12;
	_ =	sdelay $0x1  }
0x9e: {  	v12 =	vmul.f32 v10, v62;
	_ =	sdelay $0x1  }
0x9f: {  	v12 =	vmul.f32 v12, v10;
	_ =	sdelay $0x1  }
0xa0: {  	v12 =	vsub.f32 $1.500000000e+00, v12;
	_ =	sdelay $0x1  }
0xa1: {  	v10 =	vmul.f32 v12, v10;
	_ =	sdelay $0x1  }
0xa2: {  	v63 =	vmov s30;
	v11 =	vmul.f32 v10, v62  }
0xa3: {  	v12 =	vshll.u32 v63, $0x2  }
0xa4: {  	v6 =	vld.idx.msk [tilespmem:v6+s3+$0x0], $0xffff;
	v12 =	vor.u32 v3, v12;
	v11 =	vmul.f32 v11, v10  }
0xa5: {  	v13 =	vor.u32 $0x1, v12  }
0xa6: {  	v14 =	vor.u32 $0x2, v12;
	v11 =	vsub.f32 $1.500000000e+00, v11  }
0xa7: {  	v5 =	vmul.f32 $9.999999770e-03, v5;
	v15 =	vor.u32 $0x3, v12  }
0xa8: {  	v7 =	vmul.f32 $9.999999770e-03, v7;
	v10 =	vmul.f32 v11, v10  }
0xa9: {  	v8 =	vmul.f32 $9.999999770e-03, v58;
	[tilespmem:v12+s16+$0x0] =	vst.idx.msk $0xffff, v5;
	v5 =	vsub.s32 v6, v4  }
0xaa: {  	[tilespmem:v13+s16+$0x0] =	vst.idx.msk $0xffff, v7;
	vm0 =	vlt.u32 v5, $0x3D090;
	v6 =	vmul.f32 v10, v9  }
0xab: {  	[tilespmem:v14+s16+$0x0] =	vst.idx.msk $0xffff, v8;
	v5 =	vsel vm0, v5, v1  }
0xac: {  	v5 =	vshll.u32 v5, $0x2;
	[tilespmem:v15+s16+$0x0] =	vst.idx.msk $0xffff, v6  }
0xad: {  	v6 =	vor.u32 $0x1, v5;
	[tilespmem:v12+s17+$0x0] =	vst.idx.msk $0xffff, v5  }
0xae: {  	[tilespmem:v13+s17+$0x0] =	vst.idx.msk $0xffff, v6;
	v6 =	vor.u32 $0x2, v5  }
0xaf: {  	v5 =	vor.u32 $0x3, v5;
	[tilespmem:v14+s17+$0x0] =	vst.idx.msk $0xffff, v6  }
0xb0: {  	[tilespmem:v15+s17+$0x0] =	vst.idx.msk $0xffff, v5  }
0xb1: {  	[spmem:s1] =	stream.indirect.scatter.add.f32 [tilespmem:s16], [sflag:$0x1], $0x1, s17, s18, $0xb8;
	[tilespmem:$0x19828] =	vst v63  }
0xb2: {  	s0 =	simm.s32 $0x8080  }
0xb3: {  	[spmem:s1] =	stream.indirect.scatter.add.f32 [tilespmem:s0], [sflag:$0x1], $0x1, s6, s18, $0xb8;
	[tilespmem:$0x19828] =	vst v63  }
0xb4: {  	s31 =	simm.s32 $0x8100;
	s0 =	simm.s32 $0x8900  }
0xb5: {  	[spmem:s1] =	stream.indirect.scatter.add.f32 [tilespmem:s31], [sflag:$0x1], $0x1, s0, s18, $0xb8;
	[tilespmem:$0x19828] =	vst v63  }
0xb6: {  	s0 =	simm.s32 $0x8980;
	s31 =	simm.s32 $0x8180  }
0xb7: {  	[spmem:s1] =	stream.indirect.scatter.add.f32 [tilespmem:s31], [sflag:$0x1], $0x1, s0, s18, $0xb8;
	[tilespmem:$0x19828] =	vst v63  }
0xb8: {  	s0 =	simm.s32 $0x8A00;
	s31 =	simm.s32 $0x8200  }
0xb9: {  	[spmem:s1] =	stream.indirect.scatter.add.f32 [tilespmem:s31], [sflag:$0x1], $0x1, s0, s18, $0xb8;
	[tilespmem:$0x19828] =	vst v63  }
0xba: {  	s0 =	simm.s32 $0x8A80;
	s31 =	simm.s32 $0x8280  }
0xbb: {  	[spmem:s1] =	stream.indirect.scatter.add.f32 [tilespmem:s31], [sflag:$0x1], $0x1, s0, s18, $0xb8;
	[tilespmem:$0x19828] =	vst v63  }
0xbc: {  	s0 =	simm.s32 $0x8B00;
	s31 =	simm.s32 $0x8300  }
0xbd: {  	[spmem:s1] =	stream.indirect.scatter.add.f32 [tilespmem:s31], [sflag:$0x1], $0x1, s0, s18, $0xb8;
	[tilespmem:$0x19828] =	vst v63  }
0xbe: {  	s0 =	simm.s32 $0x8B80;
	s31 =	simm.s32 $0x8380  }
0xbf: {  	[spmem:s1] =	stream.indirect.scatter.add.f32 [tilespmem:s31], [sflag:$0x1], $0x1, s0, s18, $0xb8;
	[tilespmem:$0x19828] =	vst v63  }
0xc0: {  	s31 =	simm.s32 $0x8C00  }
0xc1: {  	[spmem:s1] =	stream.indirect.scatter.add.f32 [tilespmem:s10], [sflag:$0x1], $0x1, s31, s18, $0xb8;
	[tilespmem:$0x19828] =	vst v63  }
0xc2: {  	_ = 	snop  }
0xc3: {  	[spmem:s1] =	stream.indirect.scatter.add.f32 [tilespmem:s12], [sflag:$0x1], $0x1, s5, s18, $0xb8;
	[tilespmem:$0x19828] =	vst v63  }
0xc4: {  	_ = 	snop  }
0xc5: {  	[spmem:s1] =	stream.indirect.scatter.add.f32 [tilespmem:s9], [sflag:$0x1], $0x1, s4, s18, $0xb8;
	[tilespmem:$0x19828] =	vst v63  }
0xc6: {  	_ = 	snop  }
0xc7: {  	[spmem:s1] =	stream.indirect.scatter.add.f32 [tilespmem:s14], [sflag:$0x1], $0x1, s11, s18, $0xb8;
	[tilespmem:$0x19828] =	vst v63  }
0xc8: {  	_ = 	snop  }
0xc9: {  	[spmem:s1] =	stream.indirect.scatter.add.f32 [tilespmem:s20], [sflag:$0x1], $0x1, s19, s18, $0xb8;
	[tilespmem:$0x19828] =	vst v63  }
0xca: {  	_ = 	snop  }
0xcb: {  	[spmem:s1] =	stream.indirect.scatter.add.f32 [tilespmem:s22], [sflag:$0x1], $0x1, s21, s18, $0xb8;
	[tilespmem:$0x19828] =	vst v63  }
0xcc: {  	_ = 	snop  }
0xcd: {  	[spmem:s1] =	stream.indirect.scatter.add.f32 [tilespmem:s24], [sflag:$0x1], $0x1, s23, s18, $0xb8;
	[tilespmem:$0x19828] =	vst v63  }
0xce: {  	_ = 	snop  }
0xcf: {  	[spmem:s1] =	stream.indirect.scatter.add.f32 [tilespmem:s26], [sflag:$0x1], $0x1, s25, s18, $0xb8;
	[tilespmem:$0x19828] =	vst v63  }
0xd0: {  	_ =	swait.ge [sflag:s15], $0x80  }
0xd1: {  	[sflag:s15] =	ssyncset.done $0x0  }
0xd2: {  	[sflag:s15] =	ssyncadd.s32 $0xFFFFFF80  }
0xd3: {  	_ =	swait.ge [sflag:s15], $0x80  }
0xd4: {  	[sflag:s15] =	ssyncset.done $0x0  }
0xd5: {  	[sflag:s15] =	ssyncadd.s32 $0xFFFFFF80  }
0xd6: {  	_ =	swait.ge [sflag:s15], $0x80  }
0xd7: {  	[sflag:s15] =	ssyncset.done $0x0  }
0xd8: {  	[sflag:s15] =	ssyncadd.s32 $0xFFFFFF80  }
0xd9: {  	_ =	swait.ge [sflag:s15], $0x80  }
0xda: {  	[sflag:s15] =	ssyncset.done $0x0  }
0xdb: {  	[sflag:s15] =	ssyncadd.s32 $0xFFFFFF80  }
0xdc: {  	_ =	swait.ge [sflag:s15], $0x80  }
0xdd: {  	[sflag:s15] =	ssyncset.done $0x0  }
0xde: {  	[sflag:s15] =	ssyncadd.s32 $0xFFFFFF80  }
0xdf: {  	_ =	swait.ge [sflag:s15], $0x80  }
0xe0: {  	[sflag:s15] =	ssyncset.done $0x0  }
0xe1: {  	[sflag:s15] =	ssyncadd.s32 $0xFFFFFF80  }
0xe2: {  	_ =	swait.ge [sflag:s15], $0x80  }
0xe3: {  	[sflag:s15] =	ssyncset.done $0x0  }
0xe4: {  	[sflag:s15] =	ssyncadd.s32 $0xFFFFFF80  }
0xe5: {  	_ =	swait.ge [sflag:s15], $0x80  }
0xe6: {  	[sflag:s15] =	ssyncset.done $0x0  }
0xe7: {  	[sflag:s15] =	ssyncadd.s32 $0xFFFFFF80  }
0xe8: {  	_ =	swait.ge [sflag:s15], $0x80  }
0xe9: {  	[sflag:s15] =	ssyncset.done $0x0  }
0xea: {  	[sflag:s15] =	ssyncadd.s32 $0xFFFFFF80  }
0xeb: {  	_ =	swait.ge [sflag:s15], $0x80  }
0xec: {  	[sflag:s15] =	ssyncset.done $0x0  }
0xed: {  	[sflag:s15] =	ssyncadd.s32 $0xFFFFFF80  }
0xee: {  	_ =	swait.ge [sflag:s15], $0x80  }
0xef: {  	[sflag:s15] =	ssyncset.done $0x0  }
0xf0: {  	[sflag:s15] =	ssyncadd.s32 $0xFFFFFF80  }
0xf1: {  	_ =	swait.ge [sflag:s15], $0x80  }
0xf2: {  	[sflag:s15] =	ssyncset.done $0x0  }
0xf3: {  	[sflag:s15] =	ssyncadd.s32 $0xFFFFFF80  }
0xf4: {  	_ =	swait.ge [sflag:s15], $0x80  }
0xf5: {  	[sflag:s15] =	ssyncset.done $0x0  }
0xf6: {  	[sflag:s15] =	ssyncadd.s32 $0xFFFFFF80  }
0xf7: {  	_ =	swait.ge [sflag:s15], $0x80  }
0xf8: {  	[sflag:s15] =	ssyncset.done $0x0  }
0xf9: {  	s29 =	sadd.s32 $0x1, s29;
	[sflag:s15] =	ssyncadd.s32 $0xFFFFFF80  }
0xfa: {  	p2 =	sne.s32 s29, $0x10;
	_ =	swait.ge [sflag:s15], $0x80  }
.Ltmp4:
0xfb: {  	[sflag:s15] =	ssyncset.done $0x0;
	(pc) =	sbr.rel @p2 .LBB2_9-.Ltmp4, $4  }
0xfc: {  	[sflag:s15] =	ssyncadd.s32 $0xFFFFFF80  }
0xfd: {  	_ =	swait.ge [sflag:s15], $0x80  }
0xfe: {  	[sflag:s15] =	ssyncset.done $0x0  }
0xff: {  	[sflag:s15] =	ssyncadd.s32 $0xFFFFFF80  }
0x100: {  	s0 =	rddreg [dreg:$0xe];
	s28 =	sadd.s32 $0x0, s2;
	[bflag:$0x0] =	sbarrier.arrive $0xFFFF  }
0x101: {  	s0 =	sshll.u32 s0, $0x2;
	s6 =	rddreg [dreg:$0xc];
	p2 =	sgt.u32 s28, $0x185  }
0x102: {  	s0 =	sadd.s32 s0, s6;
	s29 =	simm.s32 @!p2 $0x9A00  }
0x103: {  	s28 =	simm.s32 @!p2 $0x4;
	p2 =	por p2, p2;
	s6 =	rddreg [dreg:$0xf]  }
0x104: {  	[tilespmem:s29], [sflag:$0x4] =	stream.linear.gather @!p2 [spmem:s7], $0xA00, $0x38;
	[tilespmem:$0x19828] =	vst v63  }
0x105: {  	s6 =	sshll.u32 s6, $0x2  }
0x106: {  	[dreg:$0x10] =	wrdreg s6  }
0x107: {  	s30 =	simm.s32 $0x20;
	s0 =	sshrl.u32 s0, $0x3;
	_ =	swait.ge @!p2 [sflag:s28], $0xA00  }
0x108: {  	s31 =	simm.s32 @!p2 $0x0;
	s6 =	rddreg [dreg:$0x5];
	[sflag:s28] =	ssyncset.done @!p2 $0x0  }
0x109: {  	s0 =	sadd.s32 s0, s6;
	[sflag:s28] =	ssyncadd.s32 @!p2 $0xFFFFF600;
	s28 =	simm.s32 @!p2 $0x3  }
0x10a: {  	[hbm4b:s0+s31] =	stream.linear.scatter @!p2 [tilespmem:s29], [sflag:$0x3], $0xA00, $0x38;
	[tilespmem:$0x19828] =	vst v63  }
0x10b: {  	s31 =	sadd.s32 $0x10, s2;
	s29 =	sadd.s32 $0x1400, s0;
	_ =	swait.ge @!p2 [sflag:s28], $0xA00  }
0x10c: {  	p3 =	sgt.u32 s31, $0x185;
	s31 =	sadd.s32 $0xA000, s7;
	[sflag:s28] =	ssyncset.done @!p2 $0x0  }
.LBB2_13:
0x10d: {  	s0 =	simm.s32 @!p3 $0x9A00;
	s6 =	simm.s32 @!p3 $0x4;
	[sflag:s28] =	ssyncadd.s32 @!p2 $0xFFFFF600  }
0x10e: {  	s7 =	smov.u32 s30;
	p2 =	por p3, p3;
	s30 =	sadd.s32 $0x10, s30  }
0x10f: {  	[tilespmem:s0], [sflag:$0x4] =	stream.linear.gather @!p2 [spmem:s31], $0xA00, $0x38;
	[tilespmem:$0x19828] =	vst v63  }
0x110: {  	p4 =	sne.s32 s30, $0x190;
	_ =	swait.ge @!p2 [sflag:s6], $0xA00  }
.Ltmp5:
0x111: {  	[sflag:s6] =	ssyncset.done @!p2 $0x0;
	(pc) =	sbr.rel @p4 .LBB2_13-.Ltmp5, $4  }
0x112: {  	s28 =	simm.s32 @!p2 $0x3;
	[sflag:s6] =	ssyncadd.s32 @!p2 $0xFFFFF600;
	s6 =	simm.s32 @!p2 $0x0  }
0x113: {  	[hbm4b:s29+s6] =	stream.linear.scatter @!p2 [tilespmem:s0], [sflag:$0x3], $0xA00, $0x38;
	[tilespmem:$0x19828] =	vst v63  }
0x114: {  	s0 =	sadd.s32 s7, s2;
	s29 =	sadd.s32 $0x1400, s29;
	_ =	swait.ge @!p2 [sflag:s28], $0xA00  }
0x115: {  	s31 =	sadd.s32 $0xA000, s31;
	p3 =	sgt.u32 s0, $0x185;
	[sflag:s28] =	ssyncset.done @!p2 $0x0  }
0x116: {  	s0 =	simm.s32 @!p3 $0x9A00  }
0x117: {  	s6 =	simm.s32 @!p3 $0x4;
	[sflag:s28] =	ssyncadd.s32 @!p2 $0xFFFFF600;
	p2 =	por p3, p3  }
0x118: {  	[tilespmem:s0], [sflag:$0x4] =	stream.linear.gather @!p2 [spmem:s31], $0xA00, $0x38;
	[tilespmem:$0x19828] =	vst v63  }
0x119: {  	_ =	swait.ge @!p2 [sflag:s6], $0xA00  }
0x11a: {  	[sflag:s6] =	ssyncset.done @!p2 $0x0  }
0x11b: {  	s7 =	simm.s32 @!p2 $0x3;
	[sflag:s6] =	ssyncadd.s32 @!p2 $0xFFFFF600;
	s6 =	simm.s32 @!p2 $0x0  }
0x11c: {  	[hbm4b:s29+s6] =	stream.linear.scatter @!p2 [tilespmem:s0], [sflag:$0x3], $0xA00, $0x38;
	[tilespmem:$0x19828] =	vst v63  }
0x11d: {  	_ =	swait.ge @!p2 [sflag:s7], $0xA00  }
0x11e: {  	[sflag:s7] =	ssyncset.done @!p2 $0x0  }
0x11f: {  	s0 =	simm.s32 @!p0 $0x9A00;
	s6 =	rddreg [dreg:$0x9];
	[sflag:s7] =	ssyncadd.s32 @!p2 $0xFFFFF600  }
0x120: {  	[tilespmem:s0], [sflag:$0x3] =	stream.linear.gather @!p0 [spmem:s6], $0x640, $0x38;
	[tilespmem:$0x19828] =	vst v63  }
0x121: {  	s6 =	simm.s32 @!p0 $0x3  }
0x122: {  	_ =	swait.ge @!p0 [sflag:s6], $0x640  }
0x123: {  	s7 =	rddreg [dreg:$0x10]  }
0x124: {  	s28 =	rddreg [dreg:$0x5];
	s7 =	sshrl.u32 @!p0 s7, $0x3  }
0x125: {  	[sflag:s6] =	ssyncset.done @!p0 $0x0;
	s7 =	sadd.s32 @!p0 s28, s7  }
0x126: {  	[sflag:s6] =	ssyncadd.s32 @!p0 $0xFFFFF9C0;
	s6 =	sadd.s32 @!p0 $0x1E780, s7;
	s7 =	simm.s32 @!p0 $0x0  }
0x127: {  	[hbm4b:s6+s7] =	stream.linear.scatter @!p0 [tilespmem:s0], [sflag:$0x2], $0x640, $0x38;
	[tilespmem:$0x19828] =	vst v63  }
.Ltmp6:
0x128: {  	_ = 	snop;
	(pc) =	sbr.rel @p1 .LBB2_4-.Ltmp6, $4  }
0x129: {  	s0 =	simm.s32 @!p0 $0x2  }
0x12a: {  	s31 =	simm.s32 $0x3D090;
	_ =	swait.ge @!p0 [sflag:s0], $0x640  }
0x12b: {  	[dreg:$0xe] =	wrdreg s31;
	[sflag:s0] =	ssyncset.done @!p0 $0x0  }
0x12c: {  	p3 =	por $0x0, $0x0;
	s7 =	rddreg [dreg:$0xb];
	[sflag:s0] =	ssyncadd.s32 @!p0 $0xFFFFF9C0  }
0x12d: {  	s28 =	rddreg [dreg:$0xd]  }
0x12e: {  	s0 =	rddreg [dreg:$0xa];
	s28 =	sadd.s32 $0x1, s28  }
0x12f: {  	p1 =	sne.s32 s28, s0  }
.Ltmp7:
0x130: {  	_ = 	snop;
	(pc) =	sbr.rel @p1 .LBB2_1-.Ltmp7, $2  }
0x131: {  	_ =	sdelay $0x2  }
0x132: {  	s6 =	simm.s32 $0x9000  }
0x133: {  	_ =	sfence.sel $0x180000  }
0x134: {  	[bflag:$0x0] =	sbarrier.arrive $0xFFFF  }
0x135: {  	_ =	strace $0x9000004A  }
0x136: {  	[bflag:$0x2] =	sbarrier.arrive $0xFFFF  }
0x137: {  	p0 =	sne.s32 s2, $0x0;
	s0 =	rddreg [dreg:$0x4]  }
0x138: {  	s0 =	sadd.s32 @!p0 $0x100000, s0  }
0x139: {  	[sflag:s0] =	ssyncadd.tile.s32 @!p0 $0x1;
	_ =	shalt  }
.Lfunc_end2:
_tile_overlayer_lowered:
.L_overlay_start_2:
0x13a: {  	(tag) =	ssettag $0x2  }
0x13b: {  	s0 =	rddreg [dreg:$0x0];
	s2 =	stileid.u32  }
0x13c: {  	s1 =	rddreg [dreg:$0x1];
	p0 =	sne.s32 s2, $0x0  }
0x13d: {  	s3 =	rddreg [dreg:$0x2];
	[bflag:$0x3] =	sbarrier.arrive $0xFFFF;
	s2 =	simm.s32 @!p0 $0x1C02  }
0x13e: {  	[timem:s3], [sflag:s2] =	dma.local @!p0 [hbm:s0], s1  }
0x13f: {  	s0 =	simm.s32 @!p0 $0x2  }
0x140: {  	_ =	swait.ge @!p0 [sflag:s0], s1  }
0x141: {  	s1 =	ssub.s32 @!p0 $0x0, s1;
	[sflag:s0] =	ssyncset.done @!p0 $0x0  }
0x142: {  	[sflag:s0] =	ssyncadd.s32 @!p0 s1  }
0x143: {  	[bflag:$0x3] =	sbarrier.arrive $0xFFFF  }
0x144: {  	_ =	shalt  }

// kernel: kernel.7.cloned.1.call-start
scs
__scs_entry_jumppad:
0x0: {  	(pc) =	sbr.rel $0x88, $3  }
0x1: {  	(tag) =	ssettag $0x0;
	lr =	simm.s32 $0x1  }
0x2: {  	[smem:$0x3F9C] =	sst lr;
	_ =	strace $0xD0000000  }
0x3: {  	_ = 	snop  }
0x4: {  	_ = 	snop  }
0x5: {  	_ = 	snop  }
0x6: {  	_ = 	snop  }
0x7: {  	_ = 	snop  }
__scs_overlays_trampoline_lowered:
0x8: {  	[smem:$0x3FAB] =	sst s0  }
0x9: {  	[smem:$0x3FAC] =	sst s1  }
0xa: {  	[smem:$0x3FAD] =	sst s2  }
0xb: {  	[smem:$0x3FAE] =	sst s3  }
0xc: {  	[smem:$0x3FAF] =	sst s4  }
0xd: {  	[smem:$0x3FB0] =	sst s5  }
0xe: {  	[smem:$0x3FB1] =	sst s6  }
0xf: {  	[smem:$0x3FB2] =	sst s7  }
0x10: {  	[smem:$0x3FB3] =	sst s8  }
0x11: {  	[smem:$0x3FB4] =	sst s9;
	s0 =	simm.s32 @!p0 $0x0  }
0x12: {  	s1 =	sld [smem:$0x3F9A];
	s0 =	simm.s32 @p0 $0x1  }
0x13: {  	[smem:$0x3FB5] =	sst s0;
	s0 =	simm.s32 @!p1 $0x0  }
0x14: {  	s2 =	sld [smem:$0x3F99];
	s0 =	simm.s32 @p1 $0x1  }
0x15: {  	[smem:$0x3FB6] =	sst s0;
	s0 =	simm.s32 @!p2 $0x0  }
0x16: {  	s3 =	sld [smem:$0x3FDB];
	s0 =	simm.s32 @p2 $0x1  }
0x17: {  	s4 =	simm.s32 $0x1BF5;
	[smem:$0x3FB8] =	sst s0  }
0x18: {  	s0 =	sld [smem:$0x3F9B];
	_ =	swait.ge [sflag:s4], $0x0  }
0x19: {  	s7 =	sld [smem:$0x3F9C]  }
0x1a: {  	s8 =	sadd.s32 $0xFFFFE003, lr  }
0x1b: {  	s9 =	sadd.s32 $0xFFFFFEF7, lr;
	s5 =	simm.s32 $0xFFFFFFFF;
	p2 =	slt.u32 s8, $0xFFFFF086  }
0x1c: {  	p1 =	slt.u32 s9, $0xF7A;
	s5 =	simm.s32 @!p2 $0x0  }
0x1d: {  	s5 =	simm.s32 @p1 $0x1;
	p0 =	seq.s32 s7, s2  }
0x1e: {  	s7 =	smul.u32 @!p0 $0xF7A, s2;
	p2 =	seq.s32 @!p0 s5, $0x0  }
0x1f: {  	s9 =	smul.u32 $0xF7A, s1;
	s8 =	simm.s32 @!p0 $0x1BF5;
	p2 =	por !p2, p0  }
0x20: {  	[sflag:s8] =	ssyncset.s32 @!p0 $0xFFFFF086;
	s6 =	sadd.s32 @!p0 s3, s7;
	s7 =	simm.s32 @!p0 $0x108  }
0x21: {  	s3 =	sadd.s32 s3, s9;
	s6 =	sadd.s32 @!p0 $0x88, s6;
	s7 =	simm.s32 @p2 $0x1082  }
0x22: {  	[simem:s7], [sflag:s8] =	dma.local @!p0 [hbm:s6], $0xF7A  }
0x23: {  	s9 =	sor.u32 $0xD0000000, s2;
	s6 =	simm.s32 $0x108;
	_ =	swait.ge @!p0 [sflag:s8], $0x0  }
0x24: {  	s3 =	sadd.s32 $0x88, s3;
	s6 =	simm.s32 @!p1 $0x1082;
	[sflag:s4] =	ssyncset.s32 $0xFFFFF086  }
0x25: {  	[simem:s6], [sflag:s4] =	dma.local [hbm:s3], $0xF7A  }
0x26: {  	[smem:$0x3F9C] =	sst s1;
	(tag) =	ssettag s2;
	_ =	strace s9  }
0x27: {  	s1 =	sld [smem:$0x3FAC]  }
0x28: {  	s2 =	sld [smem:$0x3FAD]  }
0x29: {  	s4 =	sld [smem:$0x3FAF]  }
0x2a: {  	p0 =	seq.s32 s5, $0x0;
	s5 =	sld [smem:$0x3FB0]  }
0x2b: {  	s6 =	sld [smem:$0x3FB1]  }
0x2c: {  	s7 =	sld [smem:$0x3FB2]  }
0x2d: {  	s3 =	simm.s32 $0x108;
	s8 =	sld [smem:$0x3FB3]  }
0x2e: {  	s3 =	simm.s32 @!p0 $0x1082;
	s9 =	sld [smem:$0x3FB4]  }
0x2f: {  	lr =	sadd.s32 s0, s3;
	s0 =	sld [smem:$0x3FAB]  }
0x30: {  	s3 =	sld [smem:$0x3FAE]  }
0x31: {  	[smem:$0x3FB7] =	sst s10  }
0x32: {  	s10 =	sld [smem:$0x3FB5];
	_ =	sdelay $0x3  }
0x33: {  	p0 =	seq.s32 s10, $0x1;
	s10 =	sld [smem:$0x3FB7];
	_ =	sdelay $0x3  }
0x34: {  	[smem:$0x3FB7] =	sst s10  }
0x35: {  	s10 =	sld [smem:$0x3FB6];
	_ =	sdelay $0x3  }
0x36: {  	p1 =	seq.s32 s10, $0x1;
	s10 =	sld [smem:$0x3FB7];
	_ =	sdelay $0x3  }
0x37: {  	[smem:$0x3FB7] =	sst s10  }
0x38: {  	s10 =	sld [smem:$0x3FB8]  }
0x39: {  	_ = 	snop;
	(pc) =	sbr.ind lr, $3  }
0x3a: {  	_ = 	snop  }
0x3b: {  	_ = 	snop  }
0x3c: {  	p2 =	seq.s32 s10, $0x1;
	s10 =	sld [smem:$0x3FB7]  }
0x3d: {  	_ =	shalt  }
0x3e: {  	_ =	shalt  }
0x3f: {  	_ =	shalt  }
0x40: {  	_ =	shalt  }
0x41: {  	_ =	shalt  }
0x42: {  	_ =	shalt  }
0x43: {  	_ =	shalt  }
0x44: {  	_ =	shalt  }
0x45: {  	_ =	shalt  }
0x46: {  	_ =	shalt  }
0x47: {  	_ =	shalt  }
0x48: {  	_ =	shalt  }
0x49: {  	_ =	shalt  }
0x4a: {  	_ =	shalt  }
0x4b: {  	_ =	shalt  }
0x4c: {  	_ =	shalt  }
0x4d: {  	_ =	shalt  }
0x4e: {  	_ =	shalt  }
0x4f: {  	_ =	shalt  }
0x50: {  	_ =	shalt  }
0x51: {  	_ =	shalt  }
0x52: {  	_ =	shalt  }
0x53: {  	_ =	shalt  }
0x54: {  	_ =	shalt  }
0x55: {  	_ =	shalt  }
0x56: {  	_ =	shalt  }
0x57: {  	_ =	shalt  }
0x58: {  	_ =	shalt  }
0x59: {  	_ =	shalt  }
0x5a: {  	_ =	shalt  }
0x5b: {  	_ =	shalt  }
0x5c: {  	_ =	shalt  }
0x5d: {  	_ =	shalt  }
0x5e: {  	_ =	shalt  }
0x5f: {  	_ =	shalt  }
0x60: {  	_ =	shalt  }
0x61: {  	_ =	shalt  }
0x62: {  	_ =	shalt  }
0x63: {  	_ =	shalt  }
0x64: {  	_ =	shalt  }
0x65: {  	_ =	shalt  }
0x66: {  	_ =	shalt  }
0x67: {  	_ =	shalt  }
0x68: {  	_ =	shalt  }
0x69: {  	_ =	shalt  }
0x6a: {  	_ =	shalt  }
0x6b: {  	_ =	shalt  }
0x6c: {  	_ =	shalt  }
0x6d: {  	_ =	shalt  }
0x6e: {  	_ =	shalt  }
0x6f: {  	_ =	shalt  }
0x70: {  	_ =	shalt  }
0x71: {  	_ =	shalt  }
0x72: {  	_ =	shalt  }
0x73: {  	_ =	shalt  }
0x74: {  	_ =	shalt  }
0x75: {  	_ =	shalt  }
0x76: {  	_ =	shalt  }
0x77: {  	_ =	shalt  }
0x78: {  	_ =	shalt  }
0x79: {  	_ =	shalt  }
0x7a: {  	_ =	shalt  }
0x7b: {  	_ =	shalt  }
0x7c: {  	_ =	shalt  }
0x7d: {  	_ =	shalt  }
0x7e: {  	_ =	shalt  }
0x7f: {  	_ =	shalt  }
0x80: {  	_ =	shalt  }
0x81: {  	_ =	shalt  }
0x82: {  	_ =	shalt  }
0x83: {  	_ =	shalt  }
0x84: {  	_ =	shalt  }
0x85: {  	_ =	shalt  }
0x86: {  	_ =	shalt  }
0x87: {  	_ =	shalt  }
.Lfunc_end0:
.L_simem_size_0:
called_computation.2_lowered:
.L_overlay_start_0:
0x88: {  	s2 =	sld [smem:$0x3FD9]  }
0x89: {  	s3 =	sld [smem:$0x3FFE];
	_ =	sdelay $0x1  }
0x8a: {  	s1 =	srdreg.scid  }
0x8b: {  	s0 =	sand.u32 $0x1, s1  }
0x8c: {  	s16 =	sshll.u32 s0, $0xA;
	s2 =	sadd.s32 s3, s2  }
0x8d: {  	s2 =	sadd.s32 s2, s16  }
0x8e: {  	[smem:$0x3FC3] =	sst s2  }
0x8f: {  	_ = 	snop  }
0x90: {  	(tm) =	ssettm $0x1  }
0x91: {  	s17 =	sld [smem:$0x3FFB];
	_ =	sdelay $0x3  }
0x92: {  	_ =	strace s17  }
0x93: {  	s2 =	sld [smem:$0x3FFC];
	_ =	sdelay $0x3  }
0x94: {  	_ =	strace s2  }
0x95: {  	s2 =	sld [smem:$0x3FFD];
	_ =	sdelay $0x3  }
0x96: {  	_ =	strace s2  }
0x97: {  	_ =	strace $0x8FFFFFFF  }
0x98: {  	s18 =	sld [smem:$0x3FDB];
	_ =	sdelay $0x1  }
0x99: {  	s19 =	simm.s32 $_scs_section_size  }
0x9a: {  	s4 =	simm.s32 $_size__tile_overlayer_lowered;
	s5 =	simm.s32 $_tile_overlayer_lowered  }
0x9b: {  	s22 =	simm.s32 $0x1BFF;
	s21 =	sshll.u32 s5, $0x1;
	s2 =	sadd.s32 s19, s18  }
0x9c: {  	s6 =	simm.s32 $0x0;
	s20 =	sshll.u32 s4, $0x1;
	s4 =	sadd.s32 s21, s2  }
0x9d: {  	[timem:s6], [sflag:s22] =	dma.local [hbm:s4], s20  }
0x9e: {  	_ =	swait.ge [sflag:s22], s20  }
0x9f: {  	s3 =	ssub.s32 $0x0, s20;
	[sflag:s22] =	ssyncset.done $0x0  }
0xa0: {  	[sflag:s22] =	ssyncadd.s32 s3;
	_ =	sdelay $0x1  }
0xa1: {  	s23 =	simm.s32 $0x1B8B  }
0xa2: {  	_ =	swait.ge [sflag:s23], $0x1  }
0xa3: {  	[sflag:s23] =	ssyncset.done $0x0  }
0xa4: {  	s25 =	simm.s32 $0x1B8E;
	s24 =	sld [smem:$0x3FFE];
	[sflag:s23] =	ssyncadd.s32 $0xFFFFFFFF  }
0xa5: {  	s26 =	simm.s32 $execute0_lowered;
	[smem:$0x3FD2] =	sst s25  }
0xa6: {  	s4 =	sshll.u32 s26, $0x1;
	_ =	strace $0x8000004C;
	[dreg:$0x1] =	wrdreg $0xFFFFFFFF  }
0xa7: {  	s28 =	simm.s32 $_size_execute0_lowered;
	s2 =	sadd.s32 s2, s4;
	[dreg:$0x0] =	wrdreg $0x0  }
0xa8: {  	s4 =	sshll.u32 s28, $0x1;
	[dreg:$0x2] =	wrdreg s2  }
0xa9: {  	[dreg:$0x3] =	wrdreg s4  }
0xaa: {  	[dreg:$0x4] =	wrdreg $0xC0  }
0xab: {  	_ =	task [dreg:s6], $0x5FFFF  }
0xac: {  	[dreg:$0x1] =	wrdreg $0xFFFFFFFF  }
0xad: {  	[dreg:$0x0] =	wrdreg $0x60  }
0xae: {  	[dreg:$0x2] =	wrdreg s24  }
0xaf: {  	[dreg:$0x3] =	wrdreg $0x9  }
0xb0: {  	_ =	task.clear_ibuf [dreg:s6], $0x4FFFF;
	_ =	strace $0x9000004C  }
0xb1: {  	s29 =	simm.s32 $0x9;
	_ =	strace $0x8000004E  }
0xb2: {  	_ =	swait.ge [sflag:s29], $0x1  }
0xb3: {  	[sflag:s29] =	ssyncadd.s32 $0xFFFFFFFF  }
0xb4: {  	_ =	strace $0x9000004E  }
0xb5: {  	_ =	sfence  }
0xb6: {  	s30 =	sld [smem:$0x0];
	_ =	sdelay $0x2  }
0xb7: {  	s31 =	sshll.u32 s1, $0xD;
	s1 =	sshrl.u32 s1, $0x2  }
0xb8: {  	s3 =	sand.u32 $0x4000, s31;
	s1 =	sadd.s32 s1, s30  }
0xb9: {  	s0 =	sor.u32 s3, s0;
	s1 =	sshll.u32 s1, $0x11  }
0xba: {  	s0 =	sor.u32 s1, s0  }
0xbb: {  	s0 =	sadd.s32 $0x8F2B, s0  }
0xbc: {  	[sflag:s0] =	ssyncadd.remote.s32 $0x1  }
0xbd: {  	_ =	sfence.sel $0xFFFF  }
0xbe: {  	[dreg:$0x0] =	wrdreg $0xFFFFFFFF;
	(pc) =	sbr.abs _section_cstart, $3  }
0xbf: {  	[dreg:$0x1] =	wrdreg $0xFFFFFFFF  }
0xc0: {  	_ =	task.clear_ibuf [dreg:s6], $0x2FFFF;
	_ =	strace $0x9FFFFFFF  }
0xc1: {  	(tm) =	ssettm $0x7FFFFFFF  }
tec
execute0_lowered:
.L_overlay_start_1:
0x0: {  	(tag) =	ssettag $0x1  }
0x1: {  	s7 =	rddreg [dreg:$0x0]  }
0x2: {  	s0 =	rddreg [dreg:$0x1];
	s1 =	simm.s32 $0x0  }
0x3: {  	s4 =	srdreg.scid;
	s11 =	simm.s32 $0x7680;
	s12 =	simm.s32 $0x1  }
0x4: {  	s13 =	simm.s32 $0x2780;
	s14 =	simm.s32 $0x8A40;
	s15 =	simm.s32 $0x2  }
0x5: {  	s16 =	simm.s32 $0x0;
	[smem:$0x7FF] =	sst s1;
	s2 =	sadd.s32 $0x16F800, s7  }
0x6: {  	s3 =	sadd.s32 $0x263C00, s7;
	s8 =	sand.u32 $0x1, s4;
	s5 =	sadd.s32 $0x7B400, s7  }
0x7: {  	s6 =	sadd.s32 $0x1200, s7;
	s4 =	stileid.u32;
	s9 =	ssub.s32 $0x2, s8  }
0x8: {  	s7 =	sadd.s32 $0x81CA00, s7;
	s8 =	sshll.u32 s8, $0x4;
	s10 =	sshrl.u32 s9, $0x1  }
0x9: {  	_ =	strace $0x8000004D;
	s8 =	sor.u32 s4, s8;
	s9 =	ssub.s32 s9, s10  }
0xa: {  	v0 =	vlaneseq.u32;
	s8 =	smul.u32 $0x7A12, s8;
	s10 =	simm.s32 $0x4F00;
	s9 =	smax.u32 s9, $0x1  }
.LBB2_1:
0xb: {  	s17 =	simm.s32 $0x0  }
.LBB2_2:
0xc: {  	s18 =	smul.u32 $0x4E2, s17;
	_ =	sdelay $0x1  }
0xd: {  	s18 =	sadd.s32 s8, s18  }
0xe: {  	s20 =	simm.s32 $0x0;
	s19 =	sadd.s32 s2, s18;
	s21 =	smul.u32 $0x6, s18  }
0xf: {  	[tilespmem:s20], [sflag:$0x1] =	stream.linear.gather [hbm4b:s19+s20], $0x2710, $0x38;
	[tilespmem:$0xB1C0] =	vst v63  }
0x10: {  	s22 =	simm.s32 $0x2788;
	s19 =	sadd.s32 s3, s21  }
0x11: {  	s20 =	simm.s32 $0x2780;
	s21 =	simm.s32 $0x6;
	s23 =	sadd.s32 $0x0, s19  }
.LBB2_3:
0x12: {  	[tilespmem:s20], [sflag:$0x1] =	stream.linear.gather [hbm4b:s23+s1], $0x3, $0x38;
	[tilespmem:$0xB1C0] =	vst v63  }
0x13: {  	s23 =	smov.u32 s21;
	s20 =	smov.u32 s22;
	p0 =	sne.s32 s21, $0x1D46  }
.Ltmp0:
0x14: {  	s21 =	sadd.s32 $0x6, s21;
	(pc) =	sbr.rel @p0 .LBB2_3-.Ltmp0, $2  }
0x15: {  	_ =	sdelay $0x2  }
0x16: {  	s22 =	sadd.s32 $0x8, s22;
	s23 =	sadd.s32 s23, s19  }
0x17: {  	[tilespmem:s20], [sflag:$0x1] =	stream.linear.gather [hbm4b:s23+s1], $0x3, $0x38;
	[tilespmem:$0xB1C0] =	vst v63  }
0x18: {  	s19 =	sadd.s32 s5, s18;
	s29 =	sshrl.u32 s18, $0x1  }
0x19: {  	[tilespmem:s10], [sflag:$0x1] =	stream.linear.gather [hbm4b:s19+s1], $0x2710, $0x38;
	[tilespmem:$0xB1C0] =	vst v63  }
0x1a: {  	s19 =	sadd.s32 s6, s29  }
0x1b: {  	[tilespmem:s11], [sflag:$0x1] =	stream.linear.gather [hbm4b:s19+s1], $0x1388, $0x38;
	[tilespmem:$0xB1C0] =	vst v63  }
0x1c: {  	_ =	swait.ge [sflag:s12], $0x2710  }
0x1d: {  	[sflag:s12] =	ssyncset.done $0x0  }
0x1e: {  	[sflag:s12] =	ssyncadd.s32 $0xFFFFD8F0  }
0x1f: {  	_ =	swait.ge [sflag:s12], $0xEA6  }
0x20: {  	[sflag:s12] =	ssyncset.done $0x0  }
0x21: {  	[sflag:s12] =	ssyncadd.s32 $0xFFFFF15A  }
0x22: {  	_ =	swait.ge [sflag:s12], $0x2710  }
0x23: {  	[sflag:s12] =	ssyncset.done $0x0  }
0x24: {  	s30 =	simm.s32 $0x0;
	[sflag:s12] =	ssyncadd.s32 $0xFFFFD8F0  }
0x25: {  	v3 =	vor.u32 s30, v0;
	_ =	swait.ge [sflag:s12], $0x1388  }
0x26: {  	p0 =	seq.s32 s17, $0x0;
	v1 =	vshll.u32 v3, $0x3;
	[sflag:s12] =	ssyncset.done $0x0  }
0x27: {  	s19 =	simm.s32 @!p0 $0x2;
	[sflag:s12] =	ssyncadd.s32 $0xFFFFEC78  }
0x28: {  	_ =	swait.ge @!p0 [sflag:s19], $0x2710  }
0x29: {  	[sflag:s19] =	ssyncset.done @!p0 $0x0  }
0x2a: {  	[sflag:s19] =	ssyncadd.s32 @!p0 $0xFFFFD8F0  }
0x2b: {  	v2 =	vld.idx.msk [tilespmem:v1+s10+$0x0], $0xffff;
	_ =	sdelay $0x4  }
0x2c: {  	v2 =	vsub.f32 $0.0e+00, v2;
	_ =	sdelay $0x1  }
0x2d: {  	v2 =	vmul.f32 $1.442695020e+00, v2;
	_ =	sdelay $0x1  }
0x2e: {  	(erf) = vpow2.f32 v2;
	_ =	sdelay $0x7  }
0x2f: {  	v5 =	vshll.u32 v3, $0x2  }
0x30: {  	v6 =	vor.u32 $0x2, v5;
	v4 =	vpop (erf)  }
0x31: {  	v2 =	vor.u32 $0x1, v1;
	v3 =	vadd.f32 $1.000000000e+00, v4  }
0x32: {  	v4 =	vor.u32 $0x1, v5  }
0x33: {  	v7 =	vld.idx.msk [tilespmem:v1+s1+$0x0], $0xffff;
	(erf) = vrcp.f32 v3;
	v3 =	vor.u32 $0x2, v1  }
0x34: {  	v9 =	vld.idx.msk [tilespmem:v5+s11+$0x0], $0xffff  }
0x35: {  	v6 =	vld.idx.msk [tilespmem:v6+s11+$0x0], $0xffff  }
0x36: {  	v8 =	vld.idx.msk [tilespmem:v2+s1+$0x0], $0xffff;
	v5 =	vor.u32 $0x3, v5  }
0x37: {  	v10 =	vld.idx.msk [tilespmem:v4+s11+$0x0], $0xffff  }
0x38: {  	v11 =	vld.idx.msk [tilespmem:v3+s1+$0x0], $0xffff  }
0x39: {  	v12 =	vld.idx.msk [tilespmem:v1+s13+$0x0], $0xffff  }
0x3a: {  	v13 =	vld.idx.msk [tilespmem:v2+s13+$0x0], $0xffff  }
0x3b: {  	v7 =	vadd.f32 v7, v9;
	v4 =	vld.idx.msk [tilespmem:v5+s11+$0x0], $0xffff  }
0x3c: {  	v9 =	vld.idx.msk [tilespmem:v3+s13+$0x0], $0xffff;
	v5 =	vadd.f32 v8, v10;
	v8 =	vpop (erf)  }
0x3d: {  	v7 =	vmul.f32 v7, v8;
	v6 =	vadd.f32 v11, v6  }
0x3e: {  	v5 =	vmul.f32 v5, v8  }
0x3f: {  	v7 =	vadd.f32 v12, v7;
	v8 =	vmul.f32 v6, v8  }
0x40: {  	s31 =	simm.s32 $0x10;
	v10 =	vadd.f32 v13, v5  }
0x41: {  	v6 =	vor.u32 s31, v0;
	v7 =	vadd.f32 v7, v4;
	v8 =	vadd.f32 v9, v8  }
0x42: {  	s19 =	simm.s32 $0x20;
	v5 =	vshll.u32 v6, $0x3;
	v9 =	vadd.f32 v10, v4  }
.LBB2_5:
0x43: {  	p0 =	sne.s32 s19, $0x4E0;
	v6 =	vshll.u32 v6, $0x2;
	v10 =	vor.u32 $0x1, v5;
	[tilespmem:v1+s14+$0x0] =	vst.idx.msk $0xffff, v7;
	v4 =	vadd.f32 v8, v4;
	v1 =	vmovc v5  }
0x44: {  	v7 =	vor.u32 $0x1, v6;
	[tilespmem:v2+s14+$0x0] =	vst.idx.msk $0xffff, v9;
	v2 =	vmov v10  }
0x45: {  	[tilespmem:v3+s14+$0x0] =	vst.idx.msk $0xffff, v4  }
0x46: {  	v8 =	vor.u32 $0x2, v6;
	v4 =	vld.idx.msk [tilespmem:v5+s10+$0x0], $0xffff  }
0x47: {  	v3 =	vor.u32 $0x2, v1;
	v5 =	vld.idx.msk [tilespmem:v5+s1+$0x0], $0xffff  }
0x48: {  	v9 =	vor.u32 $0x3, v6;
	v10 =	vld.idx.msk [tilespmem:v10+s1+$0x0], $0xffff  }
0x49: {  	v7 =	vld.idx.msk [tilespmem:v7+s11+$0x0], $0xffff  }
0x4a: {  	v6 =	vld.idx.msk [tilespmem:v6+s11+$0x0], $0xffff  }
0x4b: {  	v8 =	vld.idx.msk [tilespmem:v8+s11+$0x0], $0xffff  }
0x4c: {  	v11 =	vsub.f32 $0.0e+00, v4;
	v12 =	vld.idx.msk [tilespmem:v3+s1+$0x0], $0xffff  }
0x4d: {  	v4 =	vld.idx.msk [tilespmem:v9+s11+$0x0], $0xffff  }
0x4e: {  	v9 =	vmul.f32 $1.442695020e+00, v11;
	v11 =	vld.idx.msk [tilespmem:v2+s13+$0x0], $0xffff  }
0x4f: {  	v13 =	vld.idx.msk [tilespmem:v3+s13+$0x0], $0xffff  }
0x50: {  	v14 =	vld.idx.msk [tilespmem:v1+s13+$0x0], $0xffff;
	(erf) = vpow2.f32 v9;
	_ =	sdelay $0x8  }
0x51: {  	v9 =	vpop (erf)  }
0x52: {  	v9 =	vadd.f32 $1.000000000e+00, v9;
	_ =	sdelay $0x1  }
0x53: {  	(erf) = vrcp.f32 v9;
	_ =	sdelay $0x7  }
0x54: {  	v5 =	vadd.f32 v5, v6;
	v6 =	vadd.f32 v12, v8  }
0x55: {  	v7 =	vadd.f32 v10, v7;
	v8 =	vpop (erf)  }
0x56: {  	v5 =	vmul.f32 v5, v8;
	v9 =	vmul.f32 v6, v8  }
.Ltmp1:
0x57: {  	v7 =	vmul.f32 v7, v8;
	(pc) =	sbr.rel @p0 .LBB2_5-.Ltmp1, $4  }
0x58: {  	v8 =	vadd.f32 v14, v5  }
0x59: {  	v6 =	vor.u32 s19, v0;
	v10 =	vadd.f32 v11, v7  }
0x5a: {  	v5 =	vshll.u32 v6, $0x3;
	v7 =	vadd.f32 v8, v4;
	v8 =	vadd.f32 v13, v9  }
0x5b: {  	s19 =	sadd.s32 $0x10, s19;
	v9 =	vadd.f32 v10, v4  }
0x5c: {  	_ =	sdelay $0x3  }
0x5d: {  	[tilespmem:v1+s14+$0x0] =	vst.idx.msk $0xffff, v7;
	v1 =	vadd.f32 v8, v4  }
0x5e: {  	[tilespmem:v2+s14+$0x0] =	vst.idx.msk $0xffff, v9  }
0x5f: {  	[tilespmem:v3+s14+$0x0] =	vst.idx.msk $0xffff, v1  }
0x60: {  	v1 =	vld.idx.msk [tilespmem:v5+s10+$0x0], $0xffff;
	_ =	sdelay $0x4  }
0x61: {  	v1 =	vsub.f32 $0.0e+00, v1;
	_ =	sdelay $0x1  }
0x62: {  	v1 =	vmul.f32 $1.442695020e+00, v1;
	_ =	sdelay $0x1  }
0x63: {  	(erf) = vpow2.f32 v1;
	_ =	sdelay $0x7  }
0x64: {  	v60 =	vor.u32 $0x2, v5  }
0x65: {  	v2 =	vor.u32 $0x1, v5;
	v59 =	vpop (erf)  }
0x66: {  	v1 =	vshll.u32 v6, $0x2;
	v4 =	vadd.f32 $1.000000000e+00, v59  }
0x67: {  	v3 =	vor.u32 $0x1, v1  }
0x68: {  	v7 =	vld.idx.msk [tilespmem:v5+s1+$0x0], $0xffff;
	v6 =	vor.u32 $0x2, v1;
	(erf) = vrcp.f32 v4  }
0x69: {  	v10 =	vld.idx.msk [tilespmem:v60+s1+$0x0], $0xffff  }
0x6a: {  	v9 =	vld.idx.msk [tilespmem:v2+s1+$0x0], $0xffff  }
0x6b: {  	v61 =	vor.u32 $0x3, v1;
	v1 =	vld.idx.msk [tilespmem:v1+s11+$0x0], $0xffff  }
0x6c: {  	v3 =	vld.idx.msk [tilespmem:v3+s11+$0x0], $0xffff  }
0x6d: {  	v6 =	vld.idx.msk [tilespmem:v6+s11+$0x0], $0xffff  }
0x6e: {  	v11 =	vld.idx.msk [tilespmem:v5+s13+$0x0], $0xffff  }
0x6f: {  	v62 =	vld.idx.msk [tilespmem:v60+s13+$0x0], $0xffff  }
0x70: {  	v12 =	vld.idx.msk [tilespmem:v2+s13+$0x0], $0xffff;
	v1 =	vadd.f32 v7, v1  }
0x71: {  	v3 =	vadd.f32 v9, v3;
	v4 =	vld.idx.msk [tilespmem:v61+s11+$0x0], $0xffff;
	v63 =	vpop (erf)  }
0x72: {  	v6 =	vadd.f32 v10, v6;
	v1 =	vmul.f32 v1, v63  }
0x73: {  	v3 =	vmul.f32 v3, v63  }
0x74: {  	v6 =	vmul.f32 v6, v63;
	v1 =	vadd.f32 v11, v1  }
0x75: {  	s17 =	sadd.s32 $0x1, s17;
	v3 =	vadd.f32 v12, v3  }
0x76: {  	p0 =	sne.s32 s17, $0x19;
	v6 =	vadd.f32 v62, v6;
	v1 =	vadd.f32 v1, v4  }
.Ltmp2:
0x77: {  	v3 =	vadd.f32 v3, v4;
	(pc) =	sbr.rel @p0 .LBB2_2-.Ltmp2, $4  }
0x78: {  	[tilespmem:v5+s14+$0x0] =	vst.idx.msk $0xffff, v1;
	v1 =	vadd.f32 v6, v4  }
0x79: {  	[tilespmem:v2+s14+$0x0] =	vst.idx.msk $0xffff, v3  }
0x7a: {  	s18 =	sadd.s32 s7, s18;
	[tilespmem:v60+s14+$0x0] =	vst.idx.msk $0xffff, v1  }
0x7b: {  	[hbm4b:s18+s1] =	stream.linear.scatter [tilespmem:s14], [sflag:$0x2], $0x2710, $0x38;
	[tilespmem:$0xB1C0] =	vst v63  }
0x7c: {  	s16 =	sadd.s32 $0x1, s16  }
0x7d: {  	p0 =	sne.s32 s16, s9  }
.Ltmp3:
0x7e: {  	_ = 	snop;
	(pc) =	sbr.rel @p0 .LBB2_1-.Ltmp3, $4  }
0x7f: {  	_ = 	snop  }
0x80: {  	_ =	swait.ge [sflag:s15], $0x2710  }
0x81: {  	[sflag:s15] =	ssyncset.done $0x0  }
0x82: {  	[sflag:s15] =	ssyncadd.s32 $0xFFFFD8F0  }
0x83: {  	_ =	sfence.sel $0x180000  }
0x84: {  	[bflag:$0x0] =	sbarrier.arrive $0xFFFF  }
0x85: {  	p0 =	sne.s32 s4, $0x0;
	_ =	strace $0x9000004D  }
0x86: {  	s0 =	sadd.s32 @!p0 $0x100000, s0;
	[bflag:$0x2] =	sbarrier.arrive $0xFFFF  }
0x87: {  	[sflag:s0] =	ssyncadd.tile.s32 @!p0 $0x1;
	_ =	shalt  }
.Lfunc_end2:
_tile_overlayer_lowered:
.L_overlay_start_2:
0x88: {  	(tag) =	ssettag $0x2  }
0x89: {  	s0 =	rddreg [dreg:$0x0];
	s2 =	stileid.u32  }
0x8a: {  	s1 =	rddreg [dreg:$0x1];
	p0 =	sne.s32 s2, $0x0  }
0x8b: {  	s3 =	rddreg [dreg:$0x2];
	[bflag:$0x3] =	sbarrier.arrive $0xFFFF;
	s2 =	simm.s32 @!p0 $0x1C03  }
0x8c: {  	[timem:s3], [sflag:s2] =	dma.local @!p0 [hbm:s0], s1  }
0x8d: {  	s0 =	simm.s32 @!p0 $0x3  }
0x8e: {  	_ =	swait.ge @!p0 [sflag:s0], s1  }
0x8f: {  	s1 =	ssub.s32 @!p0 $0x0, s1;
	[sflag:s0] =	ssyncset.done @!p0 $0x0  }
0x90: {  	[sflag:s0] =	ssyncadd.s32 @!p0 s1  }
0x91: {  	[bflag:$0x3] =	sbarrier.arrive $0xFFFF  }
0x92: {  	_ =	shalt  }

// kernel: sparse-core-data-format-call.cloned.1.call-start
scs
called_computation_lowered:
.L_overlay_start_0:
0x0: {  	s1 =	sld [smem:$0x3FD9]  }
0x1: {  	s2 =	sld [smem:$0x3FFE];
	_ =	sdelay $0x1  }
0x2: {  	s3 =	srdreg.scid  }
0x3: {  	s0 =	sand.u32 $0x1, s3  }
0x4: {  	s17 =	sshll.u32 s0, $0xA;
	s1 =	sadd.s32 s2, s1  }
0x5: {  	s1 =	sadd.s32 s1, s17  }
0x6: {  	[smem:$0x3FC3] =	sst s1  }
0x7: {  	_ = 	snop  }
0x8: {  	(tm) =	ssettm $0x1  }
0x9: {  	s18 =	sld [smem:$0x3FFB];
	_ =	sdelay $0x3  }
0xa: {  	_ =	strace s18  }
0xb: {  	s1 =	sld [smem:$0x3FFC];
	_ =	sdelay $0x3  }
0xc: {  	_ =	strace s1  }
0xd: {  	s1 =	sld [smem:$0x3FFD];
	_ =	sdelay $0x3  }
0xe: {  	_ =	strace s1  }
0xf: {  	_ =	strace $0x8FFFFFFF  }
0x10: {  	s19 =	sld [smem:$0x3FDB];
	_ =	sdelay $0x1  }
0x11: {  	s20 =	simm.s32 $_scs_section_size  }
0x12: {  	s4 =	simm.s32 $_size__tile_overlayer_lowered;
	s5 =	simm.s32 $_tile_overlayer_lowered  }
0x13: {  	s23 =	simm.s32 $0x1BFF;
	s22 =	sshll.u32 s5, $0x1;
	s1 =	sadd.s32 s20, s19  }
0x14: {  	s6 =	simm.s32 $0x0;
	s21 =	sshll.u32 s4, $0x1;
	s4 =	sadd.s32 s22, s1  }
0x15: {  	[timem:s6], [sflag:s23] =	dma.local [hbm:s4], s21  }
0x16: {  	_ =	swait.ge [sflag:s23], s21  }
0x17: {  	s2 =	ssub.s32 $0x0, s21;
	[sflag:s23] =	ssyncset.done $0x0  }
0x18: {  	[sflag:s23] =	ssyncadd.s32 s2;
	_ =	sdelay $0x1  }
0x19: {  	s24 =	simm.s32 $0x1B8B  }
0x1a: {  	_ =	swait.ge [sflag:s24], $0x1  }
0x1b: {  	[sflag:s24] =	ssyncset.done $0x0  }
0x1c: {  	s26 =	simm.s32 $0x1B8E;
	s25 =	sld [smem:$0x3FFE];
	[sflag:s24] =	ssyncadd.s32 $0xFFFFFFFF  }
0x1d: {  	s27 =	simm.s32 $execute0_lowered;
	[smem:$0x3FD2] =	sst s26  }
0x1e: {  	s4 =	sshll.u32 s27, $0x1;
	_ =	strace $0x80000046;
	[dreg:$0x1] =	wrdreg $0xFFFFFFFF  }
0x1f: {  	s28 =	simm.s32 $_size_execute0_lowered;
	s1 =	sadd.s32 s1, s4;
	[dreg:$0x0] =	wrdreg $0x0  }
0x20: {  	s4 =	sshll.u32 s28, $0x1;
	[dreg:$0x2] =	wrdreg s1  }
0x21: {  	[dreg:$0x3] =	wrdreg s4  }
0x22: {  	[dreg:$0x4] =	wrdreg $0xC0  }
0x23: {  	_ =	task [dreg:s6], $0x5FFFF  }
0x24: {  	[dreg:$0x1] =	wrdreg $0xFFFFFFFF  }
0x25: {  	[dreg:$0x0] =	wrdreg $0x60  }
0x26: {  	[dreg:$0x2] =	wrdreg s25  }
0x27: {  	[dreg:$0x3] =	wrdreg $0x9  }
0x28: {  	_ =	task.clear_ibuf [dreg:s6], $0x4FFFF;
	_ =	strace $0x90000046  }
0x29: {  	s29 =	simm.s32 $0x9;
	_ =	strace $0x80000048  }
0x2a: {  	_ =	swait.ge [sflag:s29], $0x1  }
0x2b: {  	[sflag:s29] =	ssyncadd.s32 $0xFFFFFFFF  }
0x2c: {  	_ =	strace $0x90000048  }
0x2d: {  	_ =	sfence  }
0x2e: {  	s30 =	sld [smem:$0x0];
	_ =	sdelay $0x2  }
0x2f: {  	s31 =	sshll.u32 s3, $0xD;
	s3 =	sshrl.u32 s3, $0x2  }
0x30: {  	s2 =	sand.u32 $0x4000, s31;
	s1 =	sadd.s32 s3, s30  }
0x31: {  	s0 =	sor.u32 s2, s0;
	s1 =	sshll.u32 s1, $0x11  }
0x32: {  	s0 =	sor.u32 s1, s0  }
0x33: {  	s0 =	sadd.s32 $0x8F2B, s0  }
0x34: {  	[sflag:s0] =	ssyncadd.remote.s32 $0x1  }
0x35: {  	_ =	sfence.sel $0xFFFF  }
0x36: {  	[dreg:$0x0] =	wrdreg $0xFFFFFFFF;
	(pc) =	sbr.abs _section_cstart, $3  }
0x37: {  	[dreg:$0x1] =	wrdreg $0xFFFFFFFF  }
0x38: {  	_ =	task.clear_ibuf [dreg:s6], $0x2FFFF;
	_ =	strace $0x9FFFFFFF  }
0x39: {  	(tm) =	ssettm $0x7FFFFFFF  }
tec
execute0_lowered:
.L_overlay_start_1:
0x0: {  	(tag) =	ssettag $0x1  }
0x1: {  	s0 =	srdreg.scid;
	s1 =	rddreg [dreg:$0x0]  }
0x2: {  	s2 =	stileid.u32;
	_ =	strace $0x80000047;
	s29 =	simm.s32 $0x1  }
0x3: {  	s31 =	simm.s32 $0x2;
	s14 =	simm.s32 $0x0;
	s0 =	sshll.u32 s0, $0x4  }
0x4: {  	s9 =	simm.s32 $0x0;
	s8 =	simm.s32 $0x0;
	s0 =	sand.u32 $0x10, s0  }
0x5: {  	s27 =	sadd.s32 $0x7A2600, s1;
	s28 =	sadd.s32 $0xD5B600, s1;
	s0 =	sor.u32 s2, s0  }
.Ltmp0:
0x6: {  	[dreg:$0x2] =	wrdreg s27;
	s10 =	sshll.u32 s0, $0x7;
	(pc) =	sbr.rel .LBB1_1-.Ltmp0, $4  }
0x7: {  	s11 =	simm.s32 $0x0;
	[dreg:$0x4] =	wrdreg s28;
	s30 =	ssub.s32 $0xF4200, s10  }
0x8: {  	s12 =	simm.s32 $0x0;
	[dreg:$0x3] =	wrdreg s10;
	s0 =	sshrl.u32 s30, $0xC  }
0x9: {  	[sflag:s29] =	ssyncpa.u1 $0x0;
	[dreg:$0x5] =	wrdreg s0;
	s7 =	sadd.s32 $0x2, s0  }
0xa: {  	s13 =	simm.s32 $0x0;
	[sflag:s31] =	ssyncpa.u1 $0x0;
	[dreg:$0x6] =	wrdreg s7  }
.LBB1_12:
0xb: {  	s8 =	rddreg [dreg:$0x7]  }
0xc: {  	s4 =	rddreg [dreg:$0xb]  }
0xd: {  	s1 =	sshll.u32 s11, $0x3;
	s24 =	rddreg [dreg:$0xa]  }
0xe: {  	s3 =	smov.u32 s11;
	s27 =	sshrl.u32 s11, $0x3;
	s29 =	rddreg [dreg:$0x4]  }
0xf: {  	s28 =	sand.u32 $0x7, s11;
	s7 =	rddreg [dreg:$0x6];
	s0 =	sshll.u32 s8, $0x7  }
0x10: {  	s1 =	sand.u32 $0xFFFFFC00, s1;
	p0 =	sgt.s32 s8, $0xF41C0;
	s2 =	sand.u32 $0xFFFFFC00, s0  }
0x11: {  	s0 =	sand.u32 $0x380, s0;
	s1 =	sadd.s32 s1, s2;
	s2 =	smov.u32 s8  }
0x12: {  	s9 =	rddreg [dreg:$0x8];
	s0 =	sor.u32 s0, s1;
	s2 =	simm.s32 @!p0 $0xF41C0  }
0x13: {  	p0 =	sgt.s32 s11, $0x40;
	s0 =	sshrl.u32 s0, $0x7;
	s2 =	sadd.s32 s4, s2  }
0x14: {  	s3 =	simm.s32 @!p0 $0x40;
	s23 =	smulhi.u32 $0x218DEF5, s0;
	s25 =	sadd.s32 $0xFFF0BE40, s2  }
0x15: {  	s3 =	sadd.s32 s24, s3;
	s2 =	ssub.s32 $0xF4240, s2;
	p0 =	sgt.s32 s25, $0x7F  }
0x16: {  	s26 =	sadd.s32 $0xFFFFFFC0, s3;
	s3 =	ssub.s32 $0x80, s3;
	s1 =	sshrl.u32 s23, $0xD  }
0x17: {  	s2 =	simm.s32 @p0 $0x0;
	p0 =	sgt.s32 s26, $0x3F;
	s1 =	smul.u32 $0xF4240, s1  }
0x18: {  	s31 =	simm.s32 $0x80;
	s14 =	rddreg [dreg:$0x9];
	s3 =	simm.s32 @p0 $0x0  }
0x19: {  	s2 =	smul.u32 s3, s2;
	s0 =	ssub.s32 s0, s1;
	s1 =	sand.u32 $0xF, s27  }
0x1a: {  	s3 =	sshll.u32 s28, $0x12;
	s0 =	sshll.u32 s0, $0x4;
	s1 =	sadd.s32 s29, s1  }
0x1b: {  	s30 =	sor.u32 $0x40, s3;
	s2 =	sand.u32 $0x3FFFFFFF, s2;
	s0 =	sadd.s32 s0, s1  }
0x1c: {  	[hbm4b:s0+s30] =	stream.strided.scatter [tilespmem:s18], [sflag:$0x2], s2, s31, s30, $0x18;
	[tilespmem:$0x8100] =	vst v63  }
.LBB1_13:
0x1d: {  	p0 =	slt.u32 s13, $0x2  }
0x1e: {  	s1 =	smov.u32 s14;
	s2 =	smov.u32 s9;
	p1 =	sgt.s32 @!p0 s14, $0xF41C0  }
0x1f: {  	s0 =	sshra.s32 @!p0 s14, $0x1F;
	p2 =	sgt.s32 @!p0 s9, $0x40;
	s3 =	sshra.s32 @!p0 s9, $0x1F  }
0x20: {  	p1 =	por !p1, p0;
	s0 =	sand.u32 @!p0 s0, s14;
	p2 =	por !p2, p0  }
0x21: {  	s3 =	sand.u32 @!p0 s3, s9;
	s1 =	simm.s32 @p1 $0xF41C0;
	s2 =	simm.s32 @p2 $0x40  }
0x22: {  	s0 =	ssub.s32 @!p0 s1, s0;
	s1 =	ssub.s32 @!p0 s2, s3  }
0x23: {  	s2 =	sadd.s32 @!p0 $0xFFF0BE40, s0;
	s3 =	sadd.s32 @!p0 $0xFFFFFFC0, s1  }
0x24: {  	s0 =	ssub.s32 @!p0 $0xF4240, s0;
	p1 =	sgt.s32 @!p0 s2, $0x7F;
	p2 =	sgt.s32 @!p0 s3, $0x3F  }
0x25: {  	s1 =	ssub.s32 @!p0 $0x80, s1;
	p1 =	por !p1, p0;
	p2 =	por !p2, p0  }
0x26: {  	s0 =	simm.s32 @!p1 $0x0;
	s1 =	simm.s32 @!p2 $0x0  }
0x27: {  	s0 =	smul.u32 @!p0 s1, s0  }
0x28: {  	s4 =	smov.u32 s12  }
0x29: {  	s2 =	simm.s32 @!p0 $0x2;
	s1 =	sadd.s32 $0x1000, s10;
	s0 =	sand.u32 @!p0 $0x3FFFFFFF, s0  }
0x2a: {  	s3 =	sadd.s32 $0x40, s12;
	p1 =	sgt.s32 s1, $0xF423F;
	_ =	swait.ge @!p0 [sflag:s2], s0  }
0x2b: {  	s4 =	smov.u32 @p1 s3;
	s3 =	rddreg [dreg:$0x3]  }
0x2c: {  	s1 =	smov.u32 @p1 s3;
	p1 =	sgt.s32 s4, $0x2F  }
0x2d: {  	s4 =	simm.s32 @p1 $0x0;
	p1 =	sne.s32 s13, s7  }
.Ltmp1:
0x2e: {  	_ = 	snop;
	(pc) =	sbr.rel @!p1 .LBB1_14-.Ltmp1, $4  }
0x2f: {  	s14 =	smov.u32 s8  }
0x30: {  	s9 =	smov.u32 s11;
	s0 =	ssub.s32 @!p0 $0x0, s0;
	[sflag:s2] =	ssyncset.done @!p0 $0x0  }
0x31: {  	s8 =	smov.u32 s10;
	s11 =	smov.u32 s12;
	[sflag:s2] =	ssyncadd.s32 @!p0 s0  }
0x32: {  	s13 =	sadd.s32 $0x1, s13;
	s10 =	smov.u32 s1;
	s12 =	smov.u32 s4  }
.LBB1_1:
0x33: {  	s0 =	rddreg [dreg:$0x5]  }
0x34: {  	p0 =	sgt.u32 s13, s0  }
0x35: {  	s0 =	sshrl.u32 @!p0 s12, $0x3  }
0x36: {  	s1 =	sshll.u32 @!p0 s10, $0x3;
	s0 =	smul.u32 @!p0 $0x7A1400, s0  }
0x37: {  	s5 =	smov.u32 s10;
	s2 =	sshll.u32 @!p0 s12, $0x7;
	s1 =	sand.u32 @!p0 $0xFFFFFC00, s1  }
0x38: {  	s3 =	sand.u32 @!p0 $0x7F, s10;
	s0 =	sadd.s32 @!p0 s0, s1;
	s1 =	sand.u32 @!p0 $0x380, s2  }
0x39: {  	p1 =	sgt.s32 @!p0 s12, $0xFFFFFFF0;
	s4 =	sshra.s32 @!p0 s12, $0x1F;
	s0 =	sor.u32 @!p0 s1, s0  }
0x3a: {  	s6 =	sshra.s32 @!p0 s10, $0x1F;
	p1 =	por !p1, p0;
	s1 =	smulhi.u32 @!p0 $0x218D6287, s0  }
0x3b: {  	s4 =	sand.u32 @!p0 s4, s12;
	s0 =	sor.u32 @!p0 s3, s0;
	s3 =	smov.u32 s12  }
0x3c: {  	s3 =	simm.s32 @p1 $0xFFFFFFF0;
	p1 =	sgt.s32 @!p0 s10, $0xF4200;
	s1 =	sshrl.u32 @!p0 s1, $0x11  }
0x3d: {  	p1 =	por !p1, p0;
	s3 =	ssub.s32 @!p0 s3, s4;
	s2 =	smul.u32 @!p0 $0xAAB, s1  }
0x3e: {  	s4 =	sand.u32 @!p0 s6, s10;
	s6 =	smulhi.u32 @!p0 $0x218D6287, s0;
	s5 =	simm.s32 @p1 $0xF4200  }
0x3f: {  	s4 =	ssub.s32 @!p0 s5, s4;
	s5 =	sadd.s32 @!p0 $0x10, s3;
	s2 =	sshrl.u32 @!p0 s2, $0x11  }
0x40: {  	p1 =	sgt.s32 @!p0 s5, $0x3F;
	s5 =	sshrl.u32 @!p0 s6, $0x11;
	s2 =	smul.u32 @!p0 $0x30, s2  }
0x41: {  	s3 =	ssub.s32 @!p0 $0x30, s3;
	s5 =	smul.u32 @!p0 $0xF4280, s5  }
0x42: {  	p1 =	por !p1, p0;
	s1 =	ssub.s32 @!p0 s1, s2;
	s2 =	sadd.s32 @!p0 $0xFFF0BE00, s4  }
0x43: {  	s3 =	simm.s32 @!p1 $0x0;
	s4 =	ssub.s32 @!p0 $0xF4280, s4;
	p2 =	sgt.s32 @!p0 s2, $0x7F  }
0x44: {  	s0 =	ssub.s32 @!p0 s0, s5;
	s1 =	sand.u32 @!p0 $0xFFFF, s1;
	p2 =	por !p2, p0  }
0x45: {  	s2 =	sxor.u32 @!p0 $0xFFFFFFFF, s13;
	s1 =	smul.u32 @!p0 $0x1E850, s1;
	s4 =	simm.s32 @!p2 $0x0  }
0x46: {  	s5 =	rddreg [dreg:$0x2];
	s2 =	sshll.u32 @!p0 s2, $0xD;
	s3 =	smul.u32 @!p0 s3, s4  }
0x47: {  	s2 =	sand.u32 @!p0 $0x2000, s2;
	s4 =	sshrl.u32 @!p0 s0, $0x3;
	s0 =	sand.u32 @!p0 $0x7, s0  }
0x48: {  	s4 =	sadd.s32 @!p0 s5, s4;
	s0 =	sshll.u32 @!p0 s0, $0x12;
	s3 =	sand.u32 @!p0 $0x3FFFFFFF, s3  }
0x49: {  	s1 =	sadd.s32 @!p0 s1, s4;
	s0 =	sor.u32 @!p0 $0x400, s0;
	s4 =	simm.s32 @!p0 $0x7A1400  }
0x4a: {  	[tilespmem:s2], [sflag:$0x1] =	stream.strided.gather @!p0 [hbm4b:s1+s0], s3, s4, s0, $0x38;
	[tilespmem:$0x8100] =	vst v63  }
0x4b: {  	p0 =	seq.s32 s13, $0x0  }
0x4c: {  	p1 =	sge.u32 @!p0 s13, s7  }
0x4d: {  	p0 =	por p0, p1  }
.Ltmp2:
0x4e: {  	_ = 	snop;
	(pc) =	sbr.rel @p0 .LBB1_13-.Ltmp2, $1  }
0x4f: {  	_ =	sdelay $0x3  }
0x50: {  	s0 =	ssub.s32 $0x0, s11;
	s1 =	sshra.s32 s11, $0x1F;
	p0 =	sgt.s32 s11, $0xFFFFFFF0  }
0x51: {  	s2 =	smov.u32 s11;
	s25 =	ssub.s32 $0x0, s8;
	s26 =	sshra.s32 s8, $0x1F  }
0x52: {  	s3 =	smov.u32 s8;
	s2 =	simm.s32 @!p0 $0xFFFFFFF0;
	p0 =	sgt.s32 s8, $0xF4200  }
0x53: {  	s4 =	sand.u32 s0, s1;
	s1 =	sand.u32 s25, s26;
	s3 =	simm.s32 @!p0 $0xF4200  }
0x54: {  	s2 =	sadd.s32 s4, s2;
	[dreg:$0xb] =	wrdreg s1;
	s1 =	sadd.s32 s1, s3  }
0x55: {  	s27 =	sadd.s32 $0x10, s2;
	s2 =	ssub.s32 $0x30, s2;
	s28 =	sadd.s32 $0xFFF0BE00, s1  }
0x56: {  	p0 =	sgt.s32 s27, $0x3F;
	s0 =	ssub.s32 $0xF4280, s1;
	p1 =	sgt.s32 s28, $0x7F  }
0x57: {  	s2 =	simm.s32 @p0 $0x0;
	s0 =	simm.s32 @p1 $0x0  }
0x58: {  	s29 =	smul.u32 s2, s0;
	s2 =	sadd.s32 $0x40, s11  }
0x59: {  	p0 =	slt.s32 s2, $0x30  }
0x5a: {  	s2 =	simm.s32 @!p0 $0x30  }
0x5b: {  	[dreg:$0x9] =	wrdreg s14;
	s19 =	ssub.s32 s2, s11  }
0x5c: {  	[dreg:$0x8] =	wrdreg s9;
	p0 =	slt.s32 s19, $0x1  }
.Ltmp3:
0x5d: {  	[dreg:$0x7] =	wrdreg s8;
	s30 =	simm.s32 $0x1;
	(pc) =	sbr.rel @p0 .LBB1_12-.Ltmp3, $4  }
0x5e: {  	[dreg:$0xa] =	wrdreg s4;
	s0 =	sand.u32 $0x1, s13;
	s1 =	sand.u32 $0x3FFFFFFF, s29  }
0x5f: {  	s31 =	smul.u32 $0x2080, s0;
	_ =	swait.ge [sflag:s30], s1  }
0x60: {  	s1 =	ssub.s32 $0x0, s1;
	[sflag:s30] =	ssyncset.done $0x0  }
0x61: {  	s18 =	sor.u32 $0x4000, s31;
	[sflag:s30] =	ssyncadd.s32 s1  }
0x62: {  	s2 =	rddreg [dreg:$0x7]  }
0x63: {  	s1 =	sadd.s32 $0x80, s2  }
0x64: {  	p0 =	slt.s32 s1, $0xF4240  }
.Ltmp4:
0x65: {  	s1 =	simm.s32 @!p0 $0xF4240;
	(pc) =	sbr.rel .LBB1_4-.Ltmp4, $4  }
0x66: {  	s22 =	sshll.u32 s0, $0xD;
	s1 =	ssub.s32 s1, s2  }
0x67: {  	s24 =	simm.s32 $0x0;
	s25 =	simm.s32 $0x400;
	s1 =	sadd.s32 $0xF, s1  }
0x68: {  	s20 =	sand.u32 $0xFFFFFFF0, s1;
	s21 =	sand.u32 $0xFFFFFF00, s1;
	s31 =	sshll.u32 s1, $0x3  }
0x69: {  	p0 =	slt.s32 s1, $0x100;
	s23 =	sand.u32 $0xFFFFF800, s31;
	p1 =	sge.s32 s21, s20  }
.LBB1_11:
0x6a: {  	s24 =	sadd.s32 $0x1, s24  }
0x6b: {  	p2 =	sne.s32 s24, s19  }
.Ltmp5:
0x6c: {  	_ = 	snop;
	(pc) =	sbr.rel @!p2 .LBB1_12-.Ltmp5, $2  }
0x6d: {  	_ =	sdelay $0x2  }
0x6e: {  	s25 =	sadd.s32 $0x80, s25  }
.LBB1_4:
.Ltmp6:
0x6f: {  	(pc) =	sbr.rel @p0 .LBB1_8-.Ltmp6, $2  }
0x70: {  	_ =	sdelay $0x2  }
0x71: {  	s26 =	sshll.u32 s24, $0x7;
	s27 =	sand.u32 $0x7F, s24  }
0x72: {  	s1 =	sshll.u32 s24, $0x3  }
0x73: {  	s5 =	sand.u32 $0x380, s26;
	s2 =	sshrl.u32 s1, $0x7  }
0x74: {  	s3 =	sadd.s32 $0x800, s1;
	s6 =	sadd.s32 $0x1000, s1;
	s17 =	sadd.s32 s5, s22  }
0x75: {  	s9 =	sadd.s32 $0x1800, s1;
	s16 =	sadd.s32 $0x2800, s1;
	s7 =	sadd.s32 $0x3000, s1  }
0x76: {  	s1 =	sadd.s32 $0x3800, s1;
	s0 =	sand.u32 $0x78, s2;
	s3 =	sshrl.u32 s3, $0x7  }
0x77: {  	s8 =	sshrl.u32 s6, $0x7;
	s6 =	sshrl.u32 s9, $0x7;
	s9 =	sshrl.u32 s1, $0x7  }
0x78: {  	v0 =	vmov s17;
	s17 =	sand.u32 $0x1C00, s25;
	s4 =	smul.u32 $0x104, s0;
	s3 =	sand.u32 $0x78, s3  }
0x79: {  	s5 =	sand.u32 $0x78, s8;
	s14 =	sand.u32 $0x78, s6;
	s3 =	smul.u32 $0x104, s3  }
0x7a: {  	s0 =	sxor.u32 $0x40, s0;
	s5 =	smul.u32 $0x104, s5;
	s4 =	sshrl.u32 s4, $0x2  }
0x7b: {  	s8 =	sshrl.u32 s7, $0x7;
	s0 =	smul.u32 $0x104, s0;
	s4 =	sadd.s32 s4, s18  }
0x7c: {  	s3 =	sshrl.u32 s3, $0x2;
	s15 =	sshrl.u32 s5, $0x2;
	s5 =	sshrl.u32 s16, $0x7  }
0x7d: {  	s0 =	sshrl.u32 s0, $0x2;
	s16 =	sadd.s32 $0x20, s2;
	s3 =	sadd.s32 s3, s18  }
0x7e: {  	s28 =	sadd.s32 s27, s4;
	s4 =	sadd.s32 s15, s18;
	s6 =	sadd.s32 s0, s18  }
0x7f: {  	s15 =	sadd.s32 $0x10, s2;
	s7 =	sand.u32 $0x78, s16;
	s16 =	sadd.s32 $0x30, s2  }
0x80: {  	s29 =	sadd.s32 s27, s3;
	s3 =	smul.u32 $0x104, s14;
	s30 =	sadd.s32 s27, s4  }
0x81: {  	s4 =	sand.u32 $0x78, s5;
	s31 =	sadd.s32 s27, s6;
	s6 =	smul.u32 $0x104, s7  }
0x82: {  	s5 =	sand.u32 $0x78, s15;
	s7 =	sadd.s32 $0x50, s2;
	s4 =	smul.u32 $0x104, s4  }
0x83: {  	s14 =	sand.u32 $0x78, s9;
	s5 =	smul.u32 $0x104, s5;
	s7 =	sand.u32 $0x78, s7  }
0x84: {  	s3 =	sshrl.u32 s3, $0x2;
	s6 =	sshrl.u32 s6, $0x2;
	s7 =	smul.u32 $0x104, s7  }
0x85: {  	s3 =	sadd.s32 s3, s18;
	s4 =	sshrl.u32 s4, $0x2;
	s5 =	sshrl.u32 s5, $0x2  }
0x86: {  	s15 =	sadd.s32 s6, s18;
	s0 =	sadd.s32 s27, s3;
	s3 =	sand.u32 $0x78, s8  }
0x87: {  	s4 =	sadd.s32 s4, s18;
	s9 =	sadd.s32 s5, s18;
	s5 =	sand.u32 $0x78, s16  }
0x88: {  	s7 =	sshrl.u32 s7, $0x2;
	s3 =	smul.u32 $0x104, s3;
	s1 =	sadd.s32 s27, s4  }
0x89: {  	s4 =	smul.u32 $0x104, s14;
	s14 =	sadd.s32 $0x60, s2;
	s2 =	sadd.s32 $0x70, s2  }
0x8a: {  	s6 =	sadd.s32 s27, s9;
	s14 =	sand.u32 $0x78, s14;
	s2 =	sand.u32 $0x78, s2  }
0x8b: {  	v1 =	vld.idx.msk [tilespmem:v0+s17+$0x0 ss:$0x1], $0xffff;
	s3 =	sshrl.u32 s3, $0x2;
	s4 =	sshrl.u32 s4, $0x2;
	s14 =	smul.u32 $0x104, s14  }
0x8c: {  	s16 =	smul.u32 $0x104, s2;
	s2 =	sadd.s32 s27, s15;
	s3 =	sadd.s32 s3, s18  }
0x8d: {  	s8 =	sadd.s32 s27, s3;
	s3 =	sadd.s32 s4, s18;
	s15 =	sshrl.u32 s14, $0x2  }
0x8e: {  	s9 =	sshrl.u32 s16, $0x2;
	s4 =	sadd.s32 s27, s3;
	s3 =	sadd.s32 s7, s18  }
0x8f: {  	s7 =	sadd.s32 s15, s18;
	s14 =	sadd.s32 s9, s18;
	s15 =	sadd.s32 $0xFFFFFC00, s25  }
0x90: {  	[tilespmem:s28+$0x0 ss:$0x41] =	vst.msk $0xffff, v1;
	v1 =	vld.idx.msk [tilespmem:v0+s17+$0x20 ss:$0x1], $0xffff;
	s16 =	sadd.s32 s27, s14;
	s14 =	sand.u32 $0x1C00, s15  }
0x91: {  	v2 =	vld.idx.msk [tilespmem:v0+s14+$0x70 ss:$0x1], $0xffff  }
0x92: {  	v3 =	vld.idx.msk [tilespmem:v0+s14+$0x0 ss:$0x1], $0xffff  }
0x93: {  	v4 =	vld.idx.msk [tilespmem:v0+s14+$0x10 ss:$0x1], $0xffff  }
0x94: {  	v5 =	vld.idx.msk [tilespmem:v0+s14+$0x20 ss:$0x1], $0xffff  }
0x95: {  	v6 =	vld.idx.msk [tilespmem:v0+s14+$0x30 ss:$0x1], $0xffff  }
0x96: {  	v7 =	vld.idx.msk [tilespmem:v0+s14+$0x40 ss:$0x1], $0xffff;
	[tilespmem:s4+$0x0 ss:$0x41] =	vst.msk $0xffff, v2  }
0x97: {  	v8 =	vld.idx.msk [tilespmem:v0+s14+$0x50 ss:$0x1], $0xffff;
	[tilespmem:s28+$0x0 ss:$0x41] =	vst.msk $0xffff, v3  }
0x98: {  	p2 =	sgt.s32 s21, $0x100;
	s5 =	smul.u32 $0x104, s5;
	v9 =	vld.idx.msk [tilespmem:v0+s14+$0x60 ss:$0x1], $0xffff;
	[tilespmem:s29+$0x0 ss:$0x41] =	vst.msk $0xffff, v4  }
.Ltmp7:
0x99: {  	v4 =	vld.idx.msk [tilespmem:v0+s17+$0x10 ss:$0x1], $0xffff;
	[tilespmem:s30+$0x0 ss:$0x41] =	vst.msk $0xffff, v5;
	(pc) =	sbr.rel @!p2 .LBB1_7-.Ltmp7, $4  }
0x9a: {  	s5 =	sshrl.u32 s5, $0x2;
	[tilespmem:s0+$0x0 ss:$0x41] =	vst.msk $0xffff, v6;
	v2 =	vld.idx.msk [tilespmem:v0+s17+$0x30 ss:$0x1], $0xffff  }
0x9b: {  	s5 =	sadd.s32 s5, s18;
	[tilespmem:s31+$0x0 ss:$0x41] =	vst.msk $0xffff, v7;
	v3 =	vld.idx.msk [tilespmem:v0+s17+$0x40 ss:$0x1], $0xffff  }
0x9c: {  	s5 =	sadd.s32 s27, s5;
	s3 =	sadd.s32 s27, s3;
	[tilespmem:s1+$0x0 ss:$0x41] =	vst.msk $0xffff, v8;
	v5 =	vld.idx.msk [tilespmem:v0+s17+$0x50 ss:$0x1], $0xffff  }
0x9d: {  	s7 =	sadd.s32 s27, s7;
	s15 =	sadd.s32 $0x800, s25;
	s14 =	simm.s32 $0x100;
	[tilespmem:s8+$0x0 ss:$0x41] =	vst.msk $0xffff, v9;
	v6 =	vld.idx.msk [tilespmem:v0+s17+$0x60 ss:$0x1], $0xffff  }
.LBB1_6:
0x9e: {  	s9 =	sadd.s32 $0xFFFFFC00, s15;
	s14 =	sadd.s32 $0x100, s14;
	[tilespmem:s6+$0x0 ss:$0x41] =	vst.msk $0xffff, v4;
	v4 =	vld.idx.msk [tilespmem:v0+s17+$0x70 ss:$0x1], $0xffff;
	s17 =	sand.u32 $0x1C00, s15  }
0x9f: {  	s9 =	sand.u32 $0x1C00, s9;
	v7 =	vld.idx.msk [tilespmem:v0+s17+$0x0 ss:$0x1], $0xffff;
	p2 =	slt.s32 s14, s21;
	[tilespmem:s2+$0x0 ss:$0x41] =	vst.msk $0xffff, v1  }
0xa0: {  	v1 =	vld.idx.msk [tilespmem:v0+s9+$0x70 ss:$0x1], $0xffff;
	[tilespmem:s5+$0x0 ss:$0x41] =	vst.msk $0xffff, v2  }
0xa1: {  	v2 =	vld.idx.msk [tilespmem:v0+s9+$0x0 ss:$0x1], $0xffff;
	[tilespmem:s31+$0x0 ss:$0x41] =	vst.msk $0xffff, v3  }
0xa2: {  	v3 =	vld.idx.msk [tilespmem:v0+s9+$0x10 ss:$0x1], $0xffff;
	[tilespmem:s3+$0x0 ss:$0x41] =	vst.msk $0xffff, v5  }
0xa3: {  	v5 =	vld.idx.msk [tilespmem:v0+s9+$0x20 ss:$0x1], $0xffff;
	[tilespmem:s7+$0x0 ss:$0x41] =	vst.msk $0xffff, v6  }
0xa4: {  	v6 =	vld.idx.msk [tilespmem:v0+s9+$0x30 ss:$0x1], $0xffff;
	[tilespmem:s16+$0x0 ss:$0x41] =	vst.msk $0xffff, v4  }
0xa5: {  	v8 =	vld.idx.msk [tilespmem:v0+s9+$0x40 ss:$0x1], $0xffff;
	[tilespmem:s28+$0x0 ss:$0x41] =	vst.msk $0xffff, v7  }
0xa6: {  	v7 =	vld.idx.msk [tilespmem:v0+s9+$0x50 ss:$0x1], $0xffff;
	[tilespmem:s4+$0x0 ss:$0x41] =	vst.msk $0xffff, v1  }
0xa7: {  	[tilespmem:s28+$0x0 ss:$0x41] =	vst.msk $0xffff, v2;
	v9 =	vld.idx.msk [tilespmem:v0+s9+$0x60 ss:$0x1], $0xffff  }
0xa8: {  	[tilespmem:s29+$0x0 ss:$0x41] =	vst.msk $0xffff, v3;
	v4 =	vld.idx.msk [tilespmem:v0+s17+$0x10 ss:$0x1], $0xffff  }
.Ltmp8:
0xa9: {  	[tilespmem:s30+$0x0 ss:$0x41] =	vst.msk $0xffff, v5;
	v1 =	vld.idx.msk [tilespmem:v0+s17+$0x20 ss:$0x1], $0xffff;
	(pc) =	sbr.rel @p2 .LBB1_6-.Ltmp8, $4  }
0xaa: {  	[tilespmem:s0+$0x0 ss:$0x41] =	vst.msk $0xffff, v6;
	v2 =	vld.idx.msk [tilespmem:v0+s17+$0x30 ss:$0x1], $0xffff  }
0xab: {  	[tilespmem:s31+$0x0 ss:$0x41] =	vst.msk $0xffff, v8;
	v3 =	vld.idx.msk [tilespmem:v0+s17+$0x40 ss:$0x1], $0xffff  }
0xac: {  	[tilespmem:s1+$0x0 ss:$0x41] =	vst.msk $0xffff, v7;
	v5 =	vld.idx.msk [tilespmem:v0+s17+$0x50 ss:$0x1], $0xffff  }
0xad: {  	s15 =	sadd.s32 $0x800, s15;
	[tilespmem:s8+$0x0 ss:$0x41] =	vst.msk $0xffff, v9;
	v6 =	vld.idx.msk [tilespmem:v0+s17+$0x60 ss:$0x1], $0xffff  }
.LBB1_7:
0xae: {  	_ =	sdelay $0x2  }
0xaf: {  	[tilespmem:s6+$0x0 ss:$0x41] =	vst.msk $0xffff, v4  }
0xb0: {  	v0 =	vld.idx.msk [tilespmem:v0+s17+$0x70 ss:$0x1], $0xffff;
	[tilespmem:s2+$0x0 ss:$0x41] =	vst.msk $0xffff, v1  }
0xb1: {  	[tilespmem:s5+$0x0 ss:$0x41] =	vst.msk $0xffff, v2  }
0xb2: {  	[tilespmem:s31+$0x0 ss:$0x41] =	vst.msk $0xffff, v3  }
0xb3: {  	[tilespmem:s3+$0x0 ss:$0x41] =	vst.msk $0xffff, v5  }
0xb4: {  	[tilespmem:s7+$0x0 ss:$0x41] =	vst.msk $0xffff, v6  }
0xb5: {  	[tilespmem:s16+$0x0 ss:$0x41] =	vst.msk $0xffff, v0  }
.LBB1_8:
.Ltmp9:
0xb6: {  	(pc) =	sbr.rel @p1 .LBB1_11-.Ltmp9, $1  }
0xb7: {  	_ =	sdelay $0x3  }
0xb8: {  	s1 =	sand.u32 $0x380, s26;
	s0 =	sshrl.u32 s24, $0x4;
	s2 =	sadd.s32 s27, s18  }
0xb9: {  	s3 =	smov.u32 s23;
	s4 =	smov.u32 s21;
	s1 =	sadd.s32 s1, s22  }
.LBB1_10:
0xba: {  	s5 =	sand.u32 $0x1C00, s3  }
0xbb: {  	s5 =	sadd.s32 s26, s5  }
0xbc: {  	s5 =	sand.u32 $0x1C00, s5  }
0xbd: {  	s6 =	sand.u32 $0x70, s4;
	s30 =	sadd.s32 s4, s0;
	s5 =	sadd.s32 s5, s1  }
0xbe: {  	s4 =	sadd.s32 $0x10, s4;
	s31 =	sand.u32 $0x78, s30;
	s5 =	sadd.s32 s6, s5  }
0xbf: {  	p2 =	slt.s32 s4, s20;
	v0 =	vld [tilespmem:s5+$0x0];
	s5 =	smul.u32 $0x104, s31  }
.Ltmp10:
0xc0: {  	_ = 	snop;
	(pc) =	sbr.rel @p2 .LBB1_10-.Ltmp10, $4  }
0xc1: {  	_ = 	snop  }
0xc2: {  	s5 =	sshrl.u32 s5, $0x2  }
0xc3: {  	s5 =	sadd.s32 s5, s2  }
0xc4: {  	s3 =	sadd.s32 $0x80, s3;
	[tilespmem:s5+$0x0 ss:$0x41] =	vst.msk $0xffff, v0  }
.Ltmp11:
0xc5: {  	_ = 	snop;
	(pc) =	sbr.rel .LBB1_11-.Ltmp11, $1  }
0xc6: {  	_ =	sdelay $0x3  }
.LBB1_14:
0xc7: {  	_ =	sfence.sel $0x180000  }
0xc8: {  	s0 =	simm.s32 $0x1;
	[bflag:$0x0] =	sbarrier.arrive $0xFFFF  }
0xc9: {  	s30 =	simm.s32 $0x2;
	[sflag:s0] =	ssyncpa.u1 $0x1  }
0xca: {  	[sflag:s30] =	ssyncpa.u1 $0x1  }
0xcb: {  	_ =	strace $0x90000047  }
0xcc: {  	s31 =	stileid.u32;
	[bflag:$0x2] =	sbarrier.arrive $0xFFFF  }
0xcd: {  	p0 =	sne.s32 s31, $0x0;
	s0 =	rddreg [dreg:$0x1]  }
0xce: {  	s0 =	sadd.s32 @!p0 $0x100000, s0  }
0xcf: {  	[sflag:s0] =	ssyncadd.tile.s32 @!p0 $0x1;
	_ =	shalt  }
.Lfunc_end1:
_tile_overlayer_lowered:
.L_overlay_start_2:
0xd0: {  	(tag) =	ssettag $0x2  }
0xd1: {  	s0 =	rddreg [dreg:$0x0];
	s2 =	stileid.u32  }
0xd2: {  	s1 =	rddreg [dreg:$0x1];
	p0 =	sne.s32 s2, $0x0  }
0xd3: {  	s3 =	rddreg [dreg:$0x2];
	[bflag:$0x3] =	sbarrier.arrive $0xFFFF;
	s2 =	simm.s32 @!p0 $0x1C01  }
0xd4: {  	[timem:s3], [sflag:s2] =	dma.local @!p0 [hbm:s0], s1  }
0xd5: {  	s0 =	simm.s32 @!p0 $0x1  }
0xd6: {  	_ =	swait.ge @!p0 [sflag:s0], s1  }
0xd7: {  	s1 =	ssub.s32 @!p0 $0x0, s1;
	[sflag:s0] =	ssyncset.done @!p0 $0x0  }
0xd8: {  	[sflag:s0] =	ssyncadd.s32 @!p0 s1  }
0xd9: {  	[bflag:$0x3] =	sbarrier.arrive $0xFFFF  }
0xda: {  	_ =	shalt  }

</sc_bundles>
